<compile_context>
chip_gen: v7x
topology: tpu7x:2x2x1
jax: 0.10.2.dev20260603
libtpu: 0.0.44.dev20260713+nightly
codegen_flags: <defaults>
</compile_context>

<pallas_src>
import jax
import jax.numpy as jnp
from jax import lax
from jax.experimental import pallas as pl
from jax.experimental.pallas import tpu as pltpu
from jax.experimental.pallas import tpu_sc as plsc

N = 10000
E = 320000
D = 128
B = 16

NC = 2
NS = 16
NW = NC * NS

N_PAD = 10240
ROWS_G = N_PAD // NW
GCH = 80
E_TILE = 10240
E_PAD = E_TILE * NW
ECH = 128
N_ECH = E_TILE // ECH
ROWS_SC = N_PAD // NS
ZR = 128

TBLK = 2048
NB = N_PAD // TBLK


def _sc_gather_body(ids_hbm, table_hbm, out_hbm, idx_v, rows_v, sem):
    c = lax.axis_index("c")
    s = lax.axis_index("s")
    wid = s * NC + c

    def chunk(i, carry):
        base = wid * ROWS_G + i * GCH
        pltpu.sync_copy(ids_hbm.at[pl.ds(base, GCH)], idx_v)
        pltpu.async_copy(table_hbm.at[idx_v], rows_v, sem).wait()
        pltpu.sync_copy(rows_v, out_hbm.at[pl.ds(base, GCH)])
        return carry

    lax.fori_loop(0, ROWS_G // GCH, chunk, 0)


def _sc_scatter_body(src_hbm, dst_hbm, x_hbm, zeros_hbm, out_hbm,
                     idx_s, idx_d, rows_v, zbuf, shared, sem):
    c = lax.axis_index("c")
    s = lax.axis_index("s")
    wid = s * NC + c

    pltpu.sync_copy(zeros_hbm, zbuf)
    row0 = s * ROWS_SC

    def zloop(k, carry):
        pltpu.sync_copy(zbuf, shared.at[pl.ds(row0 + k * ZR, ZR)])
        return carry

    lax.fori_loop(0, ROWS_SC // ZR, zloop, 0)
    plsc.subcore_barrier()

    def echunk(i, carry):
        base = wid * E_TILE + i * ECH
        pltpu.sync_copy(src_hbm.at[pl.ds(base, ECH)], idx_s)
        pltpu.sync_copy(dst_hbm.at[pl.ds(base, ECH)], idx_d)
        pltpu.async_copy(x_hbm.at[idx_s], rows_v, sem).wait()
        pltpu.sync_copy(rows_v, shared.at[idx_d], add=True)
        return carry

    lax.fori_loop(0, N_ECH, echunk, 0)
    plsc.subcore_barrier()
    pltpu.sync_copy(shared.at[pl.ds(row0, ROWS_SC)],
                    out_hbm.at[c, pl.ds(row0, ROWS_SC)])


def _tc_layer_body(x_ref, agg_ref, w_ref, b_ref, out_ref):
    h = x_ref[...] + agg_ref[0] + agg_ref[1]
    y = jnp.dot(h, w_ref[...], preferred_element_type=jnp.float32) + b_ref[...]
    out_ref[...] = jnp.maximum(y, 0.0)


def _tc_pool_body(x_ref, seg_ref, wf_ref, bf_ref, out_ref, sums, counts):
    i = pl.program_id(0)

    @pl.when(i == 0)
    def _():
        sums[...] = jnp.zeros_like(sums)
        counts[...] = jnp.zeros_like(counts)

    seg = seg_ref[0, 0, :]
    mask = (seg[:, None] == lax.broadcasted_iota(jnp.int32, (1, B), 1)
            ).astype(jnp.float32)
    dn = (((0,), (0,)), ((), ()))
    sums[...] += lax.dot_general(mask, x_ref[...], dn,
                                 preferred_element_type=jnp.float32)
    counts[...] += lax.dot_general(mask, jnp.ones_like(x_ref[...]), dn,
                                   preferred_element_type=jnp.float32)

    @pl.when(i == pl.num_programs(0) - 1)
    def _():
        pooled = sums[...] / jnp.maximum(counts[...], 1.0)
        out_ref[...] = jnp.dot(pooled, wf_ref[...],
                               preferred_element_type=jnp.float32) + bf_ref[...]


def _make_sc_gather():
    mesh = plsc.VectorSubcoreMesh(core_axis_name="c", subcore_axis_name="s")
    return pl.kernel(
        _sc_gather_body,
        out_type=jax.ShapeDtypeStruct((N_PAD, D), jnp.float32),
        mesh=mesh,
        scratch_types=[
            pltpu.VMEM((GCH,), jnp.int32),
            pltpu.VMEM((GCH, D), jnp.float32),
            pltpu.SemaphoreType.DMA,
        ],
    )


def _make_sc_scatter():
    mesh = plsc.VectorSubcoreMesh(core_axis_name="c", subcore_axis_name="s")
    return pl.kernel(
        _sc_scatter_body,
        out_type=jax.ShapeDtypeStruct((NC, N_PAD, D), jnp.float32),
        mesh=mesh,
        scratch_types=[
            pltpu.VMEM((ECH,), jnp.int32),
            pltpu.VMEM((ECH,), jnp.int32),
            pltpu.VMEM((ECH, D), jnp.float32),
            pltpu.VMEM((ZR, D), jnp.float32),
            pltpu.VMEM_SHARED((N_PAD, D), jnp.float32),
            pltpu.SemaphoreType.DMA,
        ],
    )


def _tc_layer(x, agg, w, b):
    return pl.pallas_call(
        _tc_layer_body,
        grid=(NB,),
        in_specs=[
            pl.BlockSpec((TBLK, D), lambda i: (i, 0)),
            pl.BlockSpec((NC, TBLK, D), lambda i: (0, i, 0)),
            pl.BlockSpec((D, D), lambda i: (0, 0)),
            pl.BlockSpec((1, D), lambda i: (0, 0)),
        ],
        out_specs=pl.BlockSpec((TBLK, D), lambda i: (i, 0)),
        out_shape=jax.ShapeDtypeStruct((N_PAD, D), jnp.float32),
    )(x, agg, w, b.reshape(1, D))


def _tc_pool(x, seg3, wf, bf):
    return pl.pallas_call(
        _tc_pool_body,
        grid=(NB,),
        in_specs=[
            pl.BlockSpec((TBLK, D), lambda i: (i, 0)),
            pl.BlockSpec((1, 1, TBLK), lambda i: (i, 0, 0)),
            pl.BlockSpec((D, D), lambda i: (0, 0)),
            pl.BlockSpec((1, D), lambda i: (0, 0)),
        ],
        out_specs=pl.BlockSpec((B, D), lambda i: (0, 0)),
        out_shape=jax.ShapeDtypeStruct((B, D), jnp.float32),
        scratch_shapes=[
            pltpu.VMEM((B, D), jnp.float32),
            pltpu.VMEM((B, D), jnp.float32),
        ],
    )(x, seg3, wf, bf.reshape(1, D))


def kernel(node_ids, edge_index, batch, emb, W1, b1, W2, b2, W3, b3, Wf, bf):
    node_ids_p = jnp.concatenate(
        [node_ids.astype(jnp.int32), jnp.zeros((N_PAD - N,), jnp.int32)])
    src_p = jnp.concatenate(
        [edge_index[0].astype(jnp.int32), jnp.zeros((E_PAD - E,), jnp.int32)])
    dst_p = jnp.concatenate(
        [edge_index[1].astype(jnp.int32), jnp.full((E_PAD - E,), N, jnp.int32)])
    zeros_blk = jnp.zeros((ZR, D), jnp.float32)
    seg3 = jnp.concatenate(
        [batch.astype(jnp.int32), jnp.full((N_PAD - N,), B, jnp.int32)]
    ).reshape(NB, 1, TBLK)

    sc_gather = _make_sc_gather()
    sc_scatter = _make_sc_scatter()

    x = sc_gather(node_ids_p, emb)
    for w, b in ((W1, b1), (W2, b2), (W3, b3)):
        agg = sc_scatter(src_p, dst_p, x, zeros_blk)
        x = _tc_layer(x, agg, w, b)
    return _tc_pool(x, seg3, Wf, bf)

# --- scband reference (transcript-rebuilt; emitter-appended) ---
"""Pipeline reference for scband-ginx-40295383171395 (READ-ONLY COPY).

The authoritative reference and input builder live on the scoring server;
editing this copy changes nothing except your own understanding.
"""

import jax, jax.numpy as jnp
import numpy as np

N = 10000
E = 320000
D = 128
H = 128
OUT = 128
B = 16


def setup_inputs(seed: int = 0) -> dict:
    key = jax.random.key(seed)
    ks = jax.random.split(key, 12)
    node_ids = jax.random.randint(ks[0], (N,), 0, N)
    edge_index = jax.random.randint(ks[1], (2, E), 0, N)
    batch = jnp.sort(jax.random.randint(ks[2], (N,), 0, B))
    emb = jax.random.normal(ks[3], (N, D), dtype=jnp.float32) * 0.02
    W1 = jax.random.normal(ks[4], (D, H), dtype=jnp.float32) * 0.02
    b1 = jnp.zeros((H,), dtype=jnp.float32)
    W2 = jax.random.normal(ks[5], (H, H), dtype=jnp.float32) * 0.02
    b2 = jnp.zeros((H,), dtype=jnp.float32)
    W3 = jax.random.normal(ks[6], (H, H), dtype=jnp.float32) * 0.02
    b3 = jnp.zeros((H,), dtype=jnp.float32)
    Wf = jax.random.normal(ks[7], (H, OUT), dtype=jnp.float32) * 0.02
    bf = jnp.zeros((OUT,), dtype=jnp.float32)
    return {"node_ids": node_ids, "edge_index": edge_index, "batch": batch,
            "emb": emb, "W1": W1, "b1": b1, "W2": W2, "b2": b2,
            "W3": W3, "b3": b3, "Wf": Wf, "bf": bf}


def reference(node_ids, edge_index, batch, emb, W1, b1, W2, b2, W3, b3, Wf, bf):
    # x = self.embedding(node_ids)
    x = jnp.take(emb, node_ids, axis=0)
    src = edge_index[0]
    dst = edge_index[1]

    def gin_layer(x, W, b):
        # GINConv with eps=0: nn((1+eps)*x + sum_{j in N(i)} x_j)
        agg = jnp.zeros_like(x).at[dst].add(jnp.take(x, src, axis=0))
        h = x + agg
        return jax.nn.relu(h @ W + b)

    x = gin_layer(x, W1, b1)
    x = gin_layer(x, W2, b2)
    x = gin_layer(x, W3, b3)

    # global_mean_pool over batch segment ids
    sums = jax.ops.segment_sum(x, batch, num_segments=B)
    counts = jax.ops.segment_sum(jnp.ones((x.shape[0], 1), dtype=x.dtype), batch, num_segments=B)
    pooled = sums / jnp.maximum(counts, 1.0)

    # dropout(p=0.5) is identity in eval mode
    logits = pooled @ Wf + bf
    return logits

if __name__ == "__main__":
    import jax
    _d = setup_inputs()
    print(jax.jit(kernel)(*tuple(_d.values())))

</pallas_src>

<mosaic_0001>
#map = affine_map<(d0, d1) -> (0)>
#map1 = affine_map<(d0, d1) -> (0, 0)>
#map2 = affine_map<(d0, d1) -> (0, 0, 0)>
module attributes {stable_mosaic.version = 14 : i64} {
  func.func @_sc_scatter_body(%arg0: i32, %arg1: i32, %arg2: memref<327680xi32, #tpu.memory_space<hbm>>, %arg3: memref<327680xi32, #tpu.memory_space<hbm>>, %arg4: memref<10240x128xf32, #tpu.memory_space<hbm>>, %arg5: memref<128x128xf32, #tpu.memory_space<hbm>>, %arg6: memref<2x10240x128xf32, #tpu.memory_space<hbm>>, %arg7: memref<128xi32, #tpu.memory_space<vmem>>, %arg8: memref<128xi32, #tpu.memory_space<vmem>>, %arg9: memref<128x128xf32, #tpu.memory_space<vmem>>, %arg10: memref<128x128xf32, #tpu.memory_space<vmem>>, %arg11: memref<10240x128xf32, #tpu.memory_space<vmem_shared>>, %arg12: memref<!tpu.dma_semaphore, #tpu.memory_space<semaphore_mem>>) attributes {dimension_semantics = [#tpu.dimension_semantics<core_parallel>, #tpu.dimension_semantics<subcore_parallel>], iteration_bounds = array<i64: 2, 16>, scalar_prefetch = 0 : i64, scratch_operands = 6 : i64, tpu.core_type = #tpu.core_type<sc_vector_subcore>, window_params = [{transform_indices = #map}, {transform_indices = #map}, {transform_indices = #map1}, {transform_indices = #map1}, {transform_indices = #map2}]} {
    %mul3A = arith.constant 2 : i32
    %mul3A_0 = arith.muli %arg1, %mul3A : i32
    %add3A = arith.addi %mul3A_0, %arg0 : i32
    "tpu.region"() ({
      %run_scoped3A = tpu.sem_alloc : memref<!tpu.dma_semaphore, #tpu.memory_space<semaphore_mem>>
      tpu.enqueue_dma source(%arg5 : memref<128x128xf32, #tpu.memory_space<hbm>>) target(%arg10 : memref<128x128xf32, #tpu.memory_space<vmem>>) target_semaphore(%run_scoped3A : memref<!tpu.dma_semaphore, #tpu.memory_space<semaphore_mem>>)
      tpu.wait_dma2 semaphore(%run_scoped3A : memref<!tpu.dma_semaphore, #tpu.memory_space<semaphore_mem>>) src(%arg5 : memref<128x128xf32, #tpu.memory_space<hbm>>) dst(%arg10 : memref<128x128xf32, #tpu.memory_space<vmem>>)
      tpu.yield
    }) : () -> ()
    %mul3A_1 = arith.constant 640 : i32
    %mul3A_2 = arith.muli %arg1, %mul3A_1 : i32
    %scan3A = arith.constant 0 : i32
    %scan3A_3 = arith.constant 0 : i32
    %scan3A_4 = arith.constant 5 : i32
    %scan3A_5 = arith.addi %scan3A_3, %scan3A_4 : i32
    %scan3A_6 = arith.constant 1 : i32
    scf.for %scan3A_15 = %scan3A_3 to %scan3A_5 step %scan3A_6  : i32 {
      %mul3A_16 = arith.constant 128 : i32
      %mul3A_17 = arith.muli %scan3A_15, %mul3A_16 : i32
      %add3A_18 = arith.addi %mul3A_2, %mul3A_17 : i32
      "tpu.region"() ({
        %run_scoped3A = tpu.sem_alloc : memref<!tpu.dma_semaphore, #tpu.memory_space<semaphore_mem>>
        %dma_start3A = arith.constant 0 : i32
        %dma_start3A_19 = tpu.memref_slice %arg11[%add3A_18, %dma_start3A] : memref<10240x128xf32, #tpu.memory_space<vmem_shared>> -> memref<128x128xf32, #tpu.memory_space<vmem_shared>>
        %dma_start3A_20 = arith.constant 0 : i32
        %dma_start3A_21 = tpu.memref_slice %arg11[%add3A_18, %dma_start3A_20] : memref<10240x128xf32, #tpu.memory_space<vmem_shared>> -> memref<128x128xf32, #tpu.memory_space<vmem_shared>>
        tpu.enqueue_dma source(%arg10 : memref<128x128xf32, #tpu.memory_space<vmem>>) target(%dma_start3A_21 : memref<128x128xf32, #tpu.memory_space<vmem_shared>>) target_semaphore(%run_scoped3A : memref<!tpu.dma_semaphore, #tpu.memory_space<semaphore_mem>>)
        %dma_wait3A = arith.constant 0 : i32
        %dma_wait3A_22 = tpu.memref_slice %arg11[%add3A_18, %dma_wait3A] : memref<10240x128xf32, #tpu.memory_space<vmem_shared>> -> memref<128x128xf32, #tpu.memory_space<vmem_shared>>
        %dma_wait3A_23 = arith.constant 0 : i32
        %dma_wait3A_24 = tpu.memref_slice %arg11[%add3A_18, %dma_wait3A_23] : memref<10240x128xf32, #tpu.memory_space<vmem_shared>> -> memref<128x128xf32, #tpu.memory_space<vmem_shared>>
        tpu.wait_dma2 semaphore(%run_scoped3A : memref<!tpu.dma_semaphore, #tpu.memory_space<semaphore_mem>>) src(%arg10 : memref<128x128xf32, #tpu.memory_space<vmem>>) dst(%dma_wait3A_24 : memref<128x128xf32, #tpu.memory_space<vmem_shared>>)
        tpu.yield
      }) : () -> ()
    }
    %scan3A_7 = arith.constant 5 : i32
    %barrier3A = arith.constant 0 : index
    tpu.barrier barrier_id(%barrier3A)
    %scan3A_8 = arith.constant 0 : i32
    %scan3A_9 = arith.constant 0 : i32
    %scan3A_10 = arith.constant 80 : i32
    %scan3A_11 = arith.addi %scan3A_9, %scan3A_10 : i32
    %scan3A_12 = arith.constant 1 : i32
    scf.for %scan3A_15 = %scan3A_9 to %scan3A_11 step %scan3A_12  : i32 {
      %mul3A_16 = arith.constant 10240 : i32
      %mul3A_17 = arith.muli %add3A, %mul3A_16 : i32
      %mul3A_18 = arith.constant 128 : i32
      %mul3A_19 = arith.muli %scan3A_15, %mul3A_18 : i32
      %add3A_20 = arith.addi %mul3A_17, %mul3A_19 : i32
      "tpu.region"() ({
        %run_scoped3A = tpu.sem_alloc : memref<!tpu.dma_semaphore, #tpu.memory_space<semaphore_mem>>
        %dma_start3A_25 = tpu.memref_slice %arg2[%add3A_20] : memref<327680xi32, #tpu.memory_space<hbm>> -> memref<128xi32, #tpu.memory_space<hbm>>
        %dma_start3A_26 = tpu.memref_slice %arg2[%add3A_20] : memref<327680xi32, #tpu.memory_space<hbm>> -> memref<128xi32, #tpu.memory_space<hbm>>
        tpu.enqueue_dma source(%dma_start3A_26 : memref<128xi32, #tpu.memory_space<hbm>>) target(%arg7 : memref<128xi32, #tpu.memory_space<vmem>>) target_semaphore(%run_scoped3A : memref<!tpu.dma_semaphore, #tpu.memory_space<semaphore_mem>>)
        %dma_wait3A_27 = tpu.memref_slice %arg2[%add3A_20] : memref<327680xi32, #tpu.memory_space<hbm>> -> memref<128xi32, #tpu.memory_space<hbm>>
        %dma_wait3A_28 = tpu.memref_slice %arg2[%add3A_20] : memref<327680xi32, #tpu.memory_space<hbm>> -> memref<128xi32, #tpu.memory_space<hbm>>
        tpu.wait_dma2 semaphore(%run_scoped3A : memref<!tpu.dma_semaphore, #tpu.memory_space<semaphore_mem>>) src(%dma_wait3A_28 : memref<128xi32, #tpu.memory_space<hbm>>) dst(%arg7 : memref<128xi32, #tpu.memory_space<vmem>>)
        tpu.yield
      }) : () -> ()
      "tpu.region"() ({
        %run_scoped3A = tpu.sem_alloc : memref<!tpu.dma_semaphore, #tpu.memory_space<semaphore_mem>>
        %dma_start3A_25 = tpu.memref_slice %arg3[%add3A_20] : memref<327680xi32, #tpu.memory_space<hbm>> -> memref<128xi32, #tpu.memory_space<hbm>>
        %dma_start3A_26 = tpu.memref_slice %arg3[%add3A_20] : memref<327680xi32, #tpu.memory_space<hbm>> -> memref<128xi32, #tpu.memory_space<hbm>>
        tpu.enqueue_dma source(%dma_start3A_26 : memref<128xi32, #tpu.memory_space<hbm>>) target(%arg8 : memref<128xi32, #tpu.memory_space<vmem>>) target_semaphore(%run_scoped3A : memref<!tpu.dma_semaphore, #tpu.memory_space<semaphore_mem>>)
        %dma_wait3A_27 = tpu.memref_slice %arg3[%add3A_20] : memref<327680xi32, #tpu.memory_space<hbm>> -> memref<128xi32, #tpu.memory_space<hbm>>
        %dma_wait3A_28 = tpu.memref_slice %arg3[%add3A_20] : memref<327680xi32, #tpu.memory_space<hbm>> -> memref<128xi32, #tpu.memory_space<hbm>>
        tpu.wait_dma2 semaphore(%run_scoped3A : memref<!tpu.dma_semaphore, #tpu.memory_space<semaphore_mem>>) src(%dma_wait3A_28 : memref<128xi32, #tpu.memory_space<hbm>>) dst(%arg8 : memref<128xi32, #tpu.memory_space<vmem>>)
        tpu.yield
      }) : () -> ()
      %dma_start3A = arith.constant 0 : i32
      %dma_start3A_21 = arith.constant 0 : i32
      %dma_start3A_22 = tpu.memref_slice %arg4[%dma_start3A, %dma_start3A_21] : memref<10240x128xf32, #tpu.memory_space<hbm>> -> memref<10240x128xf32, #tpu.memory_space<hbm>>
      tpu.enqueue_indirect_dma source(%dma_start3A_22 : memref<10240x128xf32, #tpu.memory_space<hbm>>) target(%arg9 : memref<128x128xf32, #tpu.memory_space<vmem>>) offsets(%arg7 : memref<128xi32, #tpu.memory_space<vmem>>) semaphore(%arg12 : memref<!tpu.dma_semaphore, #tpu.memory_space<semaphore_mem>>)
      %dma_wait3A = arith.constant 0 : i32
      %dma_wait3A_23 = arith.constant 0 : i32
      %dma_wait3A_24 = tpu.memref_slice %arg4[%dma_wait3A, %dma_wait3A_23] : memref<10240x128xf32, #tpu.memory_space<hbm>> -> memref<10240x128xf32, #tpu.memory_space<hbm>>
      tpu.wait_indirect_dma semaphore(%arg12 : memref<!tpu.dma_semaphore, #tpu.memory_space<semaphore_mem>>) src(%dma_wait3A_24 : memref<10240x128xf32, #tpu.memory_space<hbm>>) dst(%arg9 : memref<128x128xf32, #tpu.memory_space<vmem>>)
      "tpu.region"() ({
        %run_scoped3A = tpu.sem_alloc : memref<!tpu.dma_semaphore, #tpu.memory_space<semaphore_mem>>
        %dma_start3A_25 = arith.constant 0 : i32
        %dma_start3A_26 = arith.constant 0 : i32
        %dma_start3A_27 = tpu.memref_slice %arg11[%dma_start3A_25, %dma_start3A_26] : memref<10240x128xf32, #tpu.memory_space<vmem_shared>> -> memref<10240x128xf32, #tpu.memory_space<vmem_shared>>
        tpu.enqueue_indirect_dma source(%arg9 : memref<128x128xf32, #tpu.memory_space<vmem>>) target(%dma_start3A_27 : memref<10240x128xf32, #tpu.memory_space<vmem_shared>>) offsets(%arg8 : memref<128xi32, #tpu.memory_space<vmem>>) semaphore(%run_scoped3A : memref<!tpu.dma_semaphore, #tpu.memory_space<semaphore_mem>>) {add = true}
        %dma_wait3A_28 = arith.constant 0 : i32
        %dma_wait3A_29 = arith.constant 0 : i32
        %dma_wait3A_30 = tpu.memref_slice %arg11[%dma_wait3A_28, %dma_wait3A_29] : memref<10240x128xf32, #tpu.memory_space<vmem_shared>> -> memref<10240x128xf32, #tpu.memory_space<vmem_shared>>
        tpu.wait_indirect_dma semaphore(%run_scoped3A : memref<!tpu.dma_semaphore, #tpu.memory_space<semaphore_mem>>) src(%arg9 : memref<128x128xf32, #tpu.memory_space<vmem>>) dst(%dma_wait3A_30 : memref<10240x128xf32, #tpu.memory_space<vmem_shared>>)
        tpu.yield
      }) : () -> ()
    }
    %scan3A_13 = arith.constant 80 : i32
    %barrier3A_14 = arith.constant 0 : index
    tpu.barrier barrier_id(%barrier3A_14)
    "tpu.region"() ({
      %run_scoped3A = tpu.sem_alloc : memref<!tpu.dma_semaphore, #tpu.memory_space<semaphore_mem>>
      %dma_start3A = arith.constant 0 : i32
      %dma_start3A_15 = tpu.memref_slice %arg6[%arg0, %mul3A_2, %dma_start3A] : memref<2x10240x128xf32, #tpu.memory_space<hbm>> -> memref<1x640x128xf32, #tpu.memory_space<hbm>>
      %dma_start3A_16 = tpu.memref_squeeze %dma_start3A_15 : memref<1x640x128xf32, #tpu.memory_space<hbm>> -> memref<640x128xf32, #tpu.memory_space<hbm>>
      %dma_start3A_17 = arith.constant 0 : i32
      %dma_start3A_18 = tpu.memref_slice %arg11[%mul3A_2, %dma_start3A_17] : memref<10240x128xf32, #tpu.memory_space<vmem_shared>> -> memref<640x128xf32, #tpu.memory_space<vmem_shared>>
      tpu.enqueue_dma source(%dma_start3A_18 : memref<640x128xf32, #tpu.memory_space<vmem_shared>>) target(%dma_start3A_16 : memref<640x128xf32, #tpu.memory_space<hbm>>) target_semaphore(%run_scoped3A : memref<!tpu.dma_semaphore, #tpu.memory_space<semaphore_mem>>)
      %dma_wait3A = arith.constant 0 : i32
      %dma_wait3A_19 = tpu.memref_slice %arg6[%arg0, %mul3A_2, %dma_wait3A] : memref<2x10240x128xf32, #tpu.memory_space<hbm>> -> memref<1x640x128xf32, #tpu.memory_space<hbm>>
      %dma_wait3A_20 = tpu.memref_squeeze %dma_wait3A_19 : memref<1x640x128xf32, #tpu.memory_space<hbm>> -> memref<640x128xf32, #tpu.memory_space<hbm>>
      %dma_wait3A_21 = arith.constant 0 : i32
      %dma_wait3A_22 = tpu.memref_slice %arg11[%mul3A_2, %dma_wait3A_21] : memref<10240x128xf32, #tpu.memory_space<vmem_shared>> -> memref<640x128xf32, #tpu.memory_space<vmem_shared>>
      tpu.wait_dma2 semaphore(%run_scoped3A : memref<!tpu.dma_semaphore, #tpu.memory_space<semaphore_mem>>) src(%dma_wait3A_22 : memref<640x128xf32, #tpu.memory_space<vmem_shared>>) dst(%dma_wait3A_20 : memref<640x128xf32, #tpu.memory_space<hbm>>)
      tpu.yield
    }) : () -> ()
    return
  }
}

#map = affine_map<(d0, d1) -> (0)>
#map1 = affine_map<(d0, d1) -> (0, 0)>
#map2 = affine_map<(d0, d1) -> (0, 0, 0)>
module attributes {stable_mosaic.version = 14 : i64} {
  func.func @_sc_scatter_body(%arg0: i32, %arg1: i32, %arg2: memref<327680xi32, #tpu.memory_space<hbm>>, %arg3: memref<327680xi32, #tpu.memory_space<hbm>>, %arg4: memref<10240x128xf32, #tpu.memory_space<hbm>>, %arg5: memref<128x128xf32, #tpu.memory_space<hbm>>, %arg6: memref<2x10240x128xf32, #tpu.memory_space<hbm>>, %arg7: memref<128xi32, #tpu.memory_space<vmem>>, %arg8: memref<128xi32, #tpu.memory_space<vmem>>, %arg9: memref<128x128xf32, #tpu.memory_space<vmem>>, %arg10: memref<128x128xf32, #tpu.memory_space<vmem>>, %arg11: memref<10240x128xf32, #tpu.memory_space<vmem_shared>>, %arg12: memref<!tpu.dma_semaphore, #tpu.memory_space<semaphore_mem>>) attributes {dimension_semantics = [#tpu.dimension_semantics<core_parallel>, #tpu.dimension_semantics<subcore_parallel>], iteration_bounds = array<i64: 2, 16>, scalar_prefetch = 0 : i64, scratch_operands = 6 : i64, tpu.core_type = #tpu.core_type<sc_vector_subcore>, window_params = [{transform_indices = #map}, {transform_indices = #map}, {transform_indices = #map1}, {transform_indices = #map1}, {transform_indices = #map2}]} {
    %mul3A = arith.constant 2 : i32
    %mul3A_0 = arith.muli %arg1, %mul3A : i32
    %add3A = arith.addi %mul3A_0, %arg0 : i32
    "tpu.region"() ({
      %run_scoped3A = tpu.sem_alloc : memref<!tpu.dma_semaphore, #tpu.memory_space<semaphore_mem>>
      tpu.enqueue_dma source(%arg5 : memref<128x128xf32, #tpu.memory_space<hbm>>) target(%arg10 : memref<128x128xf32, #tpu.memory_space<vmem>>) target_semaphore(%run_scoped3A : memref<!tpu.dma_semaphore, #tpu.memory_space<semaphore_mem>>)
      tpu.wait_dma2 semaphore(%run_scoped3A : memref<!tpu.dma_semaphore, #tpu.memory_space<semaphore_mem>>) src(%arg5 : memref<128x128xf32, #tpu.memory_space<hbm>>) dst(%arg10 : memref<128x128xf32, #tpu.memory_space<vmem>>)
      tpu.yield
    }) : () -> ()
    %mul3A_1 = arith.constant 640 : i32
    %mul3A_2 = arith.muli %arg1, %mul3A_1 : i32
    %scan3A = arith.constant 0 : i32
    %scan3A_3 = arith.constant 0 : i32
    %scan3A_4 = arith.constant 5 : i32
    %scan3A_5 = arith.addi %scan3A_3, %scan3A_4 : i32
    %scan3A_6 = arith.constant 1 : i32
    scf.for %scan3A_15 = %scan3A_3 to %scan3A_5 step %scan3A_6  : i32 {
      %mul3A_16 = arith.constant 128 : i32
      %mul3A_17 = arith.muli %scan3A_15, %mul3A_16 : i32
      %add3A_18 = arith.addi %mul3A_2, %mul3A_17 : i32
      "tpu.region"() ({
        %run_scoped3A = tpu.sem_alloc : memref<!tpu.dma_semaphore, #tpu.memory_space<semaphore_mem>>
        %dma_start3A = arith.constant 0 : i32
        %dma_start3A_19 = tpu.memref_slice %arg11[%add3A_18, %dma_start3A] : memref<10240x128xf32, #tpu.memory_space<vmem_shared>> -> memref<128x128xf32, #tpu.memory_space<vmem_shared>>
        %dma_start3A_20 = arith.constant 0 : i32
        %dma_start3A_21 = tpu.memref_slice %arg11[%add3A_18, %dma_start3A_20] : memref<10240x128xf32, #tpu.memory_space<vmem_shared>> -> memref<128x128xf32, #tpu.memory_space<vmem_shared>>
        tpu.enqueue_dma source(%arg10 : memref<128x128xf32, #tpu.memory_space<vmem>>) target(%dma_start3A_21 : memref<128x128xf32, #tpu.memory_space<vmem_shared>>) target_semaphore(%run_scoped3A : memref<!tpu.dma_semaphore, #tpu.memory_space<semaphore_mem>>)
        %dma_wait3A = arith.constant 0 : i32
        %dma_wait3A_22 = tpu.memref_slice %arg11[%add3A_18, %dma_wait3A] : memref<10240x128xf32, #tpu.memory_space<vmem_shared>> -> memref<128x128xf32, #tpu.memory_space<vmem_shared>>
        %dma_wait3A_23 = arith.constant 0 : i32
        %dma_wait3A_24 = tpu.memref_slice %arg11[%add3A_18, %dma_wait3A_23] : memref<10240x128xf32, #tpu.memory_space<vmem_shared>> -> memref<128x128xf32, #tpu.memory_space<vmem_shared>>
        tpu.wait_dma2 semaphore(%run_scoped3A : memref<!tpu.dma_semaphore, #tpu.memory_space<semaphore_mem>>) src(%arg10 : memref<128x128xf32, #tpu.memory_space<vmem>>) dst(%dma_wait3A_24 : memref<128x128xf32, #tpu.memory_space<vmem_shared>>)
        tpu.yield
      }) : () -> ()
    }
    %scan3A_7 = arith.constant 5 : i32
    %barrier3A = arith.constant 0 : index
    tpu.barrier barrier_id(%barrier3A)
    %scan3A_8 = arith.constant 0 : i32
    %scan3A_9 = arith.constant 0 : i32
    %scan3A_10 = arith.constant 80 : i32
    %scan3A_11 = arith.addi %scan3A_9, %scan3A_10 : i32
    %scan3A_12 = arith.constant 1 : i32
    scf.for %scan3A_15 = %scan3A_9 to %scan3A_11 step %scan3A_12  : i32 {
      %mul3A_16 = arith.constant 10240 : i32
      %mul3A_17 = arith.muli %add3A, %mul3A_16 : i32
      %mul3A_18 = arith.constant 128 : i32
      %mul3A_19 = arith.muli %scan3A_15, %mul3A_18 : i32
      %add3A_20 = arith.addi %mul3A_17, %mul3A_19 : i32
      "tpu.region"() ({
        %run_scoped3A = tpu.sem_alloc : memref<!tpu.dma_semaphore, #tpu.memory_space<semaphore_mem>>
        %dma_start3A_25 = tpu.memref_slice %arg2[%add3A_20] : memref<327680xi32, #tpu.memory_space<hbm>> -> memref<128xi32, #tpu.memory_space<hbm>>
        %dma_start3A_26 = tpu.memref_slice %arg2[%add3A_20] : memref<327680xi32, #tpu.memory_space<hbm>> -> memref<128xi32, #tpu.memory_space<hbm>>
        tpu.enqueue_dma source(%dma_start3A_26 : memref<128xi32, #tpu.memory_space<hbm>>) target(%arg7 : memref<128xi32, #tpu.memory_space<vmem>>) target_semaphore(%run_scoped3A : memref<!tpu.dma_semaphore, #tpu.memory_space<semaphore_mem>>)
        %dma_wait3A_27 = tpu.memref_slice %arg2[%add3A_20] : memref<327680xi32, #tpu.memory_space<hbm>> -> memref<128xi32, #tpu.memory_space<hbm>>
        %dma_wait3A_28 = tpu.memref_slice %arg2[%add3A_20] : memref<327680xi32, #tpu.memory_space<hbm>> -> memref<128xi32, #tpu.memory_space<hbm>>
        tpu.wait_dma2 semaphore(%run_scoped3A : memref<!tpu.dma_semaphore, #tpu.memory_space<semaphore_mem>>) src(%dma_wait3A_28 : memref<128xi32, #tpu.memory_space<hbm>>) dst(%arg7 : memref<128xi32, #tpu.memory_space<vmem>>)
        tpu.yield
      }) : () -> ()
      "tpu.region"() ({
        %run_scoped3A = tpu.sem_alloc : memref<!tpu.dma_semaphore, #tpu.memory_space<semaphore_mem>>
        %dma_start3A_25 = tpu.memref_slice %arg3[%add3A_20] : memref<327680xi32, #tpu.memory_space<hbm>> -> memref<128xi32, #tpu.memory_space<hbm>>
        %dma_start3A_26 = tpu.memref_slice %arg3[%add3A_20] : memref<327680xi32, #tpu.memory_space<hbm>> -> memref<128xi32, #tpu.memory_space<hbm>>
        tpu.enqueue_dma source(%dma_start3A_26 : memref<128xi32, #tpu.memory_space<hbm>>) target(%arg8 : memref<128xi32, #tpu.memory_space<vmem>>) target_semaphore(%run_scoped3A : memref<!tpu.dma_semaphore, #tpu.memory_space<semaphore_mem>>)
        %dma_wait3A_27 = tpu.memref_slice %arg3[%add3A_20] : memref<327680xi32, #tpu.memory_space<hbm>> -> memref<128xi32, #tpu.memory_space<hbm>>
        %dma_wait3A_28 = tpu.memref_slice %arg3[%add3A_20] : memref<327680xi32, #tpu.memory_space<hbm>> -> memref<128xi32, #tpu.memory_space<hbm>>
        tpu.wait_dma2 semaphore(%run_scoped3A : memref<!tpu.dma_semaphore, #tpu.memory_space<semaphore_mem>>) src(%dma_wait3A_28 : memref<128xi32, #tpu.memory_space<hbm>>) dst(%arg8 : memref<128xi32, #tpu.memory_space<vmem>>)
        tpu.yield
      }) : () -> ()
      %dma_start3A = arith.constant 0 : i32
      %dma_start3A_21 = arith.constant 0 : i32
      %dma_start3A_22 = tpu.memref_slice %arg4[%dma_start3A, %dma_start3A_21] : memref<10240x128xf32, #tpu.memory_space<hbm>> -> memref<10240x128xf32, #tpu.memory_space<hbm>>
      tpu.enqueue_indirect_dma source(%dma_start3A_22 : memref<10240x128xf32, #tpu.memory_space<hbm>>) target(%arg9 : memref<128x128xf32, #tpu.memory_space<vmem>>) offsets(%arg7 : memref<128xi32, #tpu.memory_space<vmem>>) semaphore(%arg12 : memref<!tpu.dma_semaphore, #tpu.memory_space<semaphore_mem>>)
      %dma_wait3A = arith.constant 0 : i32
      %dma_wait3A_23 = arith.constant 0 : i32
      %dma_wait3A_24 = tpu.memref_slice %arg4[%dma_wait3A, %dma_wait3A_23] : memref<10240x128xf32, #tpu.memory_space<hbm>> -> memref<10240x128xf32, #tpu.memory_space<hbm>>
      tpu.wait_indirect_dma semaphore(%arg12 : memref<!tpu.dma_semaphore, #tpu.memory_space<semaphore_mem>>) src(%dma_wait3A_24 : memref<10240x128xf32, #tpu.memory_space<hbm>>) dst(%arg9 : memref<128x128xf32, #tpu.memory_space<vmem>>)
      "tpu.region"() ({
        %run_scoped3A = tpu.sem_alloc : memref<!tpu.dma_semaphore, #tpu.memory_space<semaphore_mem>>
        %dma_start3A_25 = arith.constant 0 : i32
        %dma_start3A_26 = arith.constant 0 : i32
        %dma_start3A_27 = tpu.memref_slice %arg11[%dma_start3A_25, %dma_start3A_26] : memref<10240x128xf32, #tpu.memory_space<vmem_shared>> -> memref<10240x128xf32, #tpu.memory_space<vmem_shared>>
        tpu.enqueue_indirect_dma source(%arg9 : memref<128x128xf32, #tpu.memory_space<vmem>>) target(%dma_start3A_27 : memref<10240x128xf32, #tpu.memory_space<vmem_shared>>) offsets(%arg8 : memref<128xi32, #tpu.memory_space<vmem>>) semaphore(%run_scoped3A : memref<!tpu.dma_semaphore, #tpu.memory_space<semaphore_mem>>) {add = true}
        %dma_wait3A_28 = arith.constant 0 : i32
        %dma_wait3A_29 = arith.constant 0 : i32
        %dma_wait3A_30 = tpu.memref_slice %arg11[%dma_wait3A_28, %dma_wait3A_29] : memref<10240x128xf32, #tpu.memory_space<vmem_shared>> -> memref<10240x128xf32, #tpu.memory_space<vmem_shared>>
        tpu.wait_indirect_dma semaphore(%run_scoped3A : memref<!tpu.dma_semaphore, #tpu.memory_space<semaphore_mem>>) src(%arg9 : memref<128x128xf32, #tpu.memory_space<vmem>>) dst(%dma_wait3A_30 : memref<10240x128xf32, #tpu.memory_space<vmem_shared>>)
        tpu.yield
      }) : () -> ()
    }
    %scan3A_13 = arith.constant 80 : i32
    %barrier3A_14 = arith.constant 0 : index
    tpu.barrier barrier_id(%barrier3A_14)
    "tpu.region"() ({
      %run_scoped3A = tpu.sem_alloc : memref<!tpu.dma_semaphore, #tpu.memory_space<semaphore_mem>>
      %dma_start3A = arith.constant 0 : i32
      %dma_start3A_15 = tpu.memref_slice %arg6[%arg0, %mul3A_2, %dma_start3A] : memref<2x10240x128xf32, #tpu.memory_space<hbm>> -> memref<1x640x128xf32, #tpu.memory_space<hbm>>
      %dma_start3A_16 = tpu.memref_squeeze %dma_start3A_15 : memref<1x640x128xf32, #tpu.memory_space<hbm>> -> memref<640x128xf32, #tpu.memory_space<hbm>>
      %dma_start3A_17 = arith.constant 0 : i32
      %dma_start3A_18 = tpu.memref_slice %arg11[%mul3A_2, %dma_start3A_17] : memref<10240x128xf32, #tpu.memory_space<vmem_shared>> -> memref<640x128xf32, #tpu.memory_space<vmem_shared>>
      tpu.enqueue_dma source(%dma_start3A_18 : memref<640x128xf32, #tpu.memory_space<vmem_shared>>) target(%dma_start3A_16 : memref<640x128xf32, #tpu.memory_space<hbm>>) target_semaphore(%run_scoped3A : memref<!tpu.dma_semaphore, #tpu.memory_space<semaphore_mem>>)
      %dma_wait3A = arith.constant 0 : i32
      %dma_wait3A_19 = tpu.memref_slice %arg6[%arg0, %mul3A_2, %dma_wait3A] : memref<2x10240x128xf32, #tpu.memory_space<hbm>> -> memref<1x640x128xf32, #tpu.memory_space<hbm>>
      %dma_wait3A_20 = tpu.memref_squeeze %dma_wait3A_19 : memref<1x640x128xf32, #tpu.memory_space<hbm>> -> memref<640x128xf32, #tpu.memory_space<hbm>>
      %dma_wait3A_21 = arith.constant 0 : i32
      %dma_wait3A_22 = tpu.memref_slice %arg11[%mul3A_2, %dma_wait3A_21] : memref<10240x128xf32, #tpu.memory_space<vmem_shared>> -> memref<640x128xf32, #tpu.memory_space<vmem_shared>>
      tpu.wait_dma2 semaphore(%run_scoped3A : memref<!tpu.dma_semaphore, #tpu.memory_space<semaphore_mem>>) src(%dma_wait3A_22 : memref<640x128xf32, #tpu.memory_space<vmem_shared>>) dst(%dma_wait3A_20 : memref<640x128xf32, #tpu.memory_space<hbm>>)
      tpu.yield
    }) : () -> ()
    return
  }
}

#map = affine_map<(d0, d1) -> (0)>
#map1 = affine_map<(d0, d1) -> (0, 0)>
module attributes {stable_mosaic.version = 14 : i64} {
  func.func @_sc_gather_body(%arg0: i32, %arg1: i32, %arg2: memref<10240xi32, #tpu.memory_space<hbm>>, %arg3: memref<10000x128xf32, #tpu.memory_space<hbm>>, %arg4: memref<10240x128xf32, #tpu.memory_space<hbm>>, %arg5: memref<80xi32, #tpu.memory_space<vmem>>, %arg6: memref<80x128xf32, #tpu.memory_space<vmem>>, %arg7: memref<!tpu.dma_semaphore, #tpu.memory_space<semaphore_mem>>) attributes {dimension_semantics = [#tpu.dimension_semantics<core_parallel>, #tpu.dimension_semantics<subcore_parallel>], iteration_bounds = array<i64: 2, 16>, scalar_prefetch = 0 : i64, scratch_operands = 3 : i64, tpu.core_type = #tpu.core_type<sc_vector_subcore>, window_params = [{transform_indices = #map}, {transform_indices = #map1}, {transform_indices = #map1}]} {
    %mul3A = arith.constant 2 : i32
    %mul3A_0 = arith.muli %arg1, %mul3A : i32
    %add3A = arith.addi %mul3A_0, %arg0 : i32
    %scan3A = arith.constant 0 : i32
    %scan3A_1 = arith.constant 0 : i32
    %scan3A_2 = arith.constant 4 : i32
    %scan3A_3 = arith.addi %scan3A_1, %scan3A_2 : i32
    %scan3A_4 = arith.constant 1 : i32
    scf.for %scan3A_6 = %scan3A_1 to %scan3A_3 step %scan3A_4  : i32 {
      %mul3A_7 = arith.constant 320 : i32
      %mul3A_8 = arith.muli %add3A, %mul3A_7 : i32
      %mul3A_9 = arith.constant 80 : i32
      %mul3A_10 = arith.muli %scan3A_6, %mul3A_9 : i32
      %add3A_11 = arith.addi %mul3A_8, %mul3A_10 : i32
      "tpu.region"() ({
        %run_scoped3A = tpu.sem_alloc : memref<!tpu.dma_semaphore, #tpu.memory_space<semaphore_mem>>
        %dma_start3A_16 = tpu.memref_slice %arg2[%add3A_11] : memref<10240xi32, #tpu.memory_space<hbm>> -> memref<80xi32, #tpu.memory_space<hbm>>
        %dma_start3A_17 = tpu.memref_slice %arg2[%add3A_11] : memref<10240xi32, #tpu.memory_space<hbm>> -> memref<80xi32, #tpu.memory_space<hbm>>
        tpu.enqueue_dma source(%dma_start3A_17 : memref<80xi32, #tpu.memory_space<hbm>>) target(%arg5 : memref<80xi32, #tpu.memory_space<vmem>>) target_semaphore(%run_scoped3A : memref<!tpu.dma_semaphore, #tpu.memory_space<semaphore_mem>>)
        %dma_wait3A_18 = tpu.memref_slice %arg2[%add3A_11] : memref<10240xi32, #tpu.memory_space<hbm>> -> memref<80xi32, #tpu.memory_space<hbm>>
        %dma_wait3A_19 = tpu.memref_slice %arg2[%add3A_11] : memref<10240xi32, #tpu.memory_space<hbm>> -> memref<80xi32, #tpu.memory_space<hbm>>
        tpu.wait_dma2 semaphore(%run_scoped3A : memref<!tpu.dma_semaphore, #tpu.memory_space<semaphore_mem>>) src(%dma_wait3A_19 : memref<80xi32, #tpu.memory_space<hbm>>) dst(%arg5 : memref<80xi32, #tpu.memory_space<vmem>>)
        tpu.yield
      }) : () -> ()
      %dma_start3A = arith.constant 0 : i32
      %dma_start3A_12 = arith.constant 0 : i32
      %dma_start3A_13 = tpu.memref_slice %arg3[%dma_start3A, %dma_start3A_12] : memref<10000x128xf32, #tpu.memory_space<hbm>> -> memref<10000x128xf32, #tpu.memory_space<hbm>>
      tpu.enqueue_indirect_dma source(%dma_start3A_13 : memref<10000x128xf32, #tpu.memory_space<hbm>>) target(%arg6 : memref<80x128xf32, #tpu.memory_space<vmem>>) offsets(%arg5 : memref<80xi32, #tpu.memory_space<vmem>>) semaphore(%arg7 : memref<!tpu.dma_semaphore, #tpu.memory_space<semaphore_mem>>)
      %dma_wait3A = arith.constant 0 : i32
      %dma_wait3A_14 = arith.constant 0 : i32
      %dma_wait3A_15 = tpu.memref_slice %arg3[%dma_wait3A, %dma_wait3A_14] : memref<10000x128xf32, #tpu.memory_space<hbm>> -> memref<10000x128xf32, #tpu.memory_space<hbm>>
      tpu.wait_indirect_dma semaphore(%arg7 : memref<!tpu.dma_semaphore, #tpu.memory_space<semaphore_mem>>) src(%dma_wait3A_15 : memref<10000x128xf32, #tpu.memory_space<hbm>>) dst(%arg6 : memref<80x128xf32, #tpu.memory_space<vmem>>)
      "tpu.region"() ({
        %run_scoped3A = tpu.sem_alloc : memref<!tpu.dma_semaphore, #tpu.memory_space<semaphore_mem>>
        %dma_start3A_16 = arith.constant 0 : i32
        %dma_start3A_17 = tpu.memref_slice %arg4[%add3A_11, %dma_start3A_16] : memref<10240x128xf32, #tpu.memory_space<hbm>> -> memref<80x128xf32, #tpu.memory_space<hbm>>
        %dma_start3A_18 = arith.constant 0 : i32
        %dma_start3A_19 = tpu.memref_slice %arg4[%add3A_11, %dma_start3A_18] : memref<10240x128xf32, #tpu.memory_space<hbm>> -> memref<80x128xf32, #tpu.memory_space<hbm>>
        tpu.enqueue_dma source(%arg6 : memref<80x128xf32, #tpu.memory_space<vmem>>) target(%dma_start3A_19 : memref<80x128xf32, #tpu.memory_space<hbm>>) target_semaphore(%run_scoped3A : memref<!tpu.dma_semaphore, #tpu.memory_space<semaphore_mem>>)
        %dma_wait3A_20 = arith.constant 0 : i32
        %dma_wait3A_21 = tpu.memref_slice %arg4[%add3A_11, %dma_wait3A_20] : memref<10240x128xf32, #tpu.memory_space<hbm>> -> memref<80x128xf32, #tpu.memory_space<hbm>>
        %dma_wait3A_22 = arith.constant 0 : i32
        %dma_wait3A_23 = tpu.memref_slice %arg4[%add3A_11, %dma_wait3A_22] : memref<10240x128xf32, #tpu.memory_space<hbm>> -> memref<80x128xf32, #tpu.memory_space<hbm>>
        tpu.wait_dma2 semaphore(%run_scoped3A : memref<!tpu.dma_semaphore, #tpu.memory_space<semaphore_mem>>) src(%arg6 : memref<80x128xf32, #tpu.memory_space<vmem>>) dst(%dma_wait3A_23 : memref<80x128xf32, #tpu.memory_space<hbm>>)
        tpu.yield
      }) : () -> ()
    }
    %scan3A_5 = arith.constant 4 : i32
    return
  }
}

#map = affine_map<(d0, d1) -> (0)>
#map1 = affine_map<(d0, d1) -> (0, 0)>
#map2 = affine_map<(d0, d1) -> (0, 0, 0)>
module attributes {stable_mosaic.version = 14 : i64} {
  func.func @_sc_scatter_body(%arg0: i32, %arg1: i32, %arg2: memref<327680xi32, #tpu.memory_space<hbm>>, %arg3: memref<327680xi32, #tpu.memory_space<hbm>>, %arg4: memref<10240x128xf32, #tpu.memory_space<hbm>>, %arg5: memref<128x128xf32, #tpu.memory_space<hbm>>, %arg6: memref<2x10240x128xf32, #tpu.memory_space<hbm>>, %arg7: memref<128xi32, #tpu.memory_space<vmem>>, %arg8: memref<128xi32, #tpu.memory_space<vmem>>, %arg9: memref<128x128xf32, #tpu.memory_space<vmem>>, %arg10: memref<128x128xf32, #tpu.memory_space<vmem>>, %arg11: memref<10240x128xf32, #tpu.memory_space<vmem_shared>>, %arg12: memref<!tpu.dma_semaphore, #tpu.memory_space<semaphore_mem>>) attributes {dimension_semantics = [#tpu.dimension_semantics<core_parallel>, #tpu.dimension_semantics<subcore_parallel>], iteration_bounds = array<i64: 2, 16>, scalar_prefetch = 0 : i64, scratch_operands = 6 : i64, tpu.core_type = #tpu.core_type<sc_vector_subcore>, window_params = [{transform_indices = #map}, {transform_indices = #map}, {transform_indices = #map1}, {transform_indices = #map1}, {transform_indices = #map2}]} {
    %mul3A = arith.constant 2 : i32
    %mul3A_0 = arith.muli %arg1, %mul3A : i32
    %add3A = arith.addi %mul3A_0, %arg0 : i32
    "tpu.region"() ({
      %run_scoped3A = tpu.sem_alloc : memref<!tpu.dma_semaphore, #tpu.memory_space<semaphore_mem>>
      tpu.enqueue_dma source(%arg5 : memref<128x128xf32, #tpu.memory_space<hbm>>) target(%arg10 : memref<128x128xf32, #tpu.memory_space<vmem>>) target_semaphore(%run_scoped3A : memref<!tpu.dma_semaphore, #tpu.memory_space<semaphore_mem>>)
      tpu.wait_dma2 semaphore(%run_scoped3A : memref<!tpu.dma_semaphore, #tpu.memory_space<semaphore_mem>>) src(%arg5 : memref<128x128xf32, #tpu.memory_space<hbm>>) dst(%arg10 : memref<128x128xf32, #tpu.memory_space<vmem>>)
      tpu.yield
    }) : () -> ()
    %mul3A_1 = arith.constant 640 : i32
    %mul3A_2 = arith.muli %arg1, %mul3A_1 : i32
    %scan3A = arith.constant 0 : i32
    %scan3A_3 = arith.constant 0 : i32
    %scan3A_4 = arith.constant 5 : i32
    %scan3A_5 = arith.addi %scan3A_3, %scan3A_4 : i32
    %scan3A_6 = arith.constant 1 : i32
    scf.for %scan3A_15 = %scan3A_3 to %scan3A_5 step %scan3A_6  : i32 {
      %mul3A_16 = arith.constant 128 : i32
      %mul3A_17 = arith.muli %scan3A_15, %mul3A_16 : i32
      %add3A_18 = arith.addi %mul3A_2, %mul3A_17 : i32
      "tpu.region"() ({
        %run_scoped3A = tpu.sem_alloc : memref<!tpu.dma_semaphore, #tpu.memory_space<semaphore_mem>>
        %dma_start3A = arith.constant 0 : i32
        %dma_start3A_19 = tpu.memref_slice %arg11[%add3A_18, %dma_start3A] : memref<10240x128xf32, #tpu.memory_space<vmem_shared>> -> memref<128x128xf32, #tpu.memory_space<vmem_shared>>
        %dma_start3A_20 = arith.constant 0 : i32
        %dma_start3A_21 = tpu.memref_slice %arg11[%add3A_18, %dma_start3A_20] : memref<10240x128xf32, #tpu.memory_space<vmem_shared>> -> memref<128x128xf32, #tpu.memory_space<vmem_shared>>
        tpu.enqueue_dma source(%arg10 : memref<128x128xf32, #tpu.memory_space<vmem>>) target(%dma_start3A_21 : memref<128x128xf32, #tpu.memory_space<vmem_shared>>) target_semaphore(%run_scoped3A : memref<!tpu.dma_semaphore, #tpu.memory_space<semaphore_mem>>)
        %dma_wait3A = arith.constant 0 : i32
        %dma_wait3A_22 = tpu.memref_slice %arg11[%add3A_18, %dma_wait3A] : memref<10240x128xf32, #tpu.memory_space<vmem_shared>> -> memref<128x128xf32, #tpu.memory_space<vmem_shared>>
        %dma_wait3A_23 = arith.constant 0 : i32
        %dma_wait3A_24 = tpu.memref_slice %arg11[%add3A_18, %dma_wait3A_23] : memref<10240x128xf32, #tpu.memory_space<vmem_shared>> -> memref<128x128xf32, #tpu.memory_space<vmem_shared>>
        tpu.wait_dma2 semaphore(%run_scoped3A : memref<!tpu.dma_semaphore, #tpu.memory_space<semaphore_mem>>) src(%arg10 : memref<128x128xf32, #tpu.memory_space<vmem>>) dst(%dma_wait3A_24 : memref<128x128xf32, #tpu.memory_space<vmem_shared>>)
        tpu.yield
      }) : () -> ()
    }
    %scan3A_7 = arith.constant 5 : i32
    %barrier3A = arith.constant 0 : index
    tpu.barrier barrier_id(%barrier3A)
    %scan3A_8 = arith.constant 0 : i32
    %scan3A_9 = arith.constant 0 : i32
    %scan3A_10 = arith.constant 80 : i32
    %scan3A_11 = arith.addi %scan3A_9, %scan3A_10 : i32
    %scan3A_12 = arith.constant 1 : i32
    scf.for %scan3A_15 = %scan3A_9 to %scan3A_11 step %scan3A_12  : i32 {
      %mul3A_16 = arith.constant 10240 : i32
      %mul3A_17 = arith.muli %add3A, %mul3A_16 : i32
      %mul3A_18 = arith.constant 128 : i32
      %mul3A_19 = arith.muli %scan3A_15, %mul3A_18 : i32
      %add3A_20 = arith.addi %mul3A_17, %mul3A_19 : i32
      "tpu.region"() ({
        %run_scoped3A = tpu.sem_alloc : memref<!tpu.dma_semaphore, #tpu.memory_space<semaphore_mem>>
        %dma_start3A_25 = tpu.memref_slice %arg2[%add3A_20] : memref<327680xi32, #tpu.memory_space<hbm>> -> memref<128xi32, #tpu.memory_space<hbm>>
        %dma_start3A_26 = tpu.memref_slice %arg2[%add3A_20] : memref<327680xi32, #tpu.memory_space<hbm>> -> memref<128xi32, #tpu.memory_space<hbm>>
        tpu.enqueue_dma source(%dma_start3A_26 : memref<128xi32, #tpu.memory_space<hbm>>) target(%arg7 : memref<128xi32, #tpu.memory_space<vmem>>) target_semaphore(%run_scoped3A : memref<!tpu.dma_semaphore, #tpu.memory_space<semaphore_mem>>)
        %dma_wait3A_27 = tpu.memref_slice %arg2[%add3A_20] : memref<327680xi32, #tpu.memory_space<hbm>> -> memref<128xi32, #tpu.memory_space<hbm>>
        %dma_wait3A_28 = tpu.memref_slice %arg2[%add3A_20] : memref<327680xi32, #tpu.memory_space<hbm>> -> memref<128xi32, #tpu.memory_space<hbm>>
        tpu.wait_dma2 semaphore(%run_scoped3A : memref<!tpu.dma_semaphore, #tpu.memory_space<semaphore_mem>>) src(%dma_wait3A_28 : memref<128xi32, #tpu.memory_space<hbm>>) dst(%arg7 : memref<128xi32, #tpu.memory_space<vmem>>)
        tpu.yield
      }) : () -> ()
      "tpu.region"() ({
        %run_scoped3A = tpu.sem_alloc : memref<!tpu.dma_semaphore, #tpu.memory_space<semaphore_mem>>
        %dma_start3A_25 = tpu.memref_slice %arg3[%add3A_20] : memref<327680xi32, #tpu.memory_space<hbm>> -> memref<128xi32, #tpu.memory_space<hbm>>
        %dma_start3A_26 = tpu.memref_slice %arg3[%add3A_20] : memref<327680xi32, #tpu.memory_space<hbm>> -> memref<128xi32, #tpu.memory_space<hbm>>
        tpu.enqueue_dma source(%dma_start3A_26 : memref<128xi32, #tpu.memory_space<hbm>>) target(%arg8 : memref<128xi32, #tpu.memory_space<vmem>>) target_semaphore(%run_scoped3A : memref<!tpu.dma_semaphore, #tpu.memory_space<semaphore_mem>>)
        %dma_wait3A_27 = tpu.memref_slice %arg3[%add3A_20] : memref<327680xi32, #tpu.memory_space<hbm>> -> memref<128xi32, #tpu.memory_space<hbm>>
        %dma_wait3A_28 = tpu.memref_slice %arg3[%add3A_20] : memref<327680xi32, #tpu.memory_space<hbm>> -> memref<128xi32, #tpu.memory_space<hbm>>
        tpu.wait_dma2 semaphore(%run_scoped3A : memref<!tpu.dma_semaphore, #tpu.memory_space<semaphore_mem>>) src(%dma_wait3A_28 : memref<128xi32, #tpu.memory_space<hbm>>) dst(%arg8 : memref<128xi32, #tpu.memory_space<vmem>>)
        tpu.yield
      }) : () -> ()
      %dma_start3A = arith.constant 0 : i32
      %dma_start3A_21 = arith.constant 0 : i32
      %dma_start3A_22 = tpu.memref_slice %arg4[%dma_start3A, %dma_start3A_21] : memref<10240x128xf32, #tpu.memory_space<hbm>> -> memref<10240x128xf32, #tpu.memory_space<hbm>>
      tpu.enqueue_indirect_dma source(%dma_start3A_22 : memref<10240x128xf32, #tpu.memory_space<hbm>>) target(%arg9 : memref<128x128xf32, #tpu.memory_space<vmem>>) offsets(%arg7 : memref<128xi32, #tpu.memory_space<vmem>>) semaphore(%arg12 : memref<!tpu.dma_semaphore, #tpu.memory_space<semaphore_mem>>)
      %dma_wait3A = arith.constant 0 : i32
      %dma_wait3A_23 = arith.constant 0 : i32
      %dma_wait3A_24 = tpu.memref_slice %arg4[%dma_wait3A, %dma_wait3A_23] : memref<10240x128xf32, #tpu.memory_space<hbm>> -> memref<10240x128xf32, #tpu.memory_space<hbm>>
      tpu.wait_indirect_dma semaphore(%arg12 : memref<!tpu.dma_semaphore, #tpu.memory_space<semaphore_mem>>) src(%dma_wait3A_24 : memref<10240x128xf32, #tpu.memory_space<hbm>>) dst(%arg9 : memref<128x128xf32, #tpu.memory_space<vmem>>)
      "tpu.region"() ({
        %run_scoped3A = tpu.sem_alloc : memref<!tpu.dma_semaphore, #tpu.memory_space<semaphore_mem>>
        %dma_start3A_25 = arith.constant 0 : i32
        %dma_start3A_26 = arith.constant 0 : i32
        %dma_start3A_27 = tpu.memref_slice %arg11[%dma_start3A_25, %dma_start3A_26] : memref<10240x128xf32, #tpu.memory_space<vmem_shared>> -> memref<10240x128xf32, #tpu.memory_space<vmem_shared>>
        tpu.enqueue_indirect_dma source(%arg9 : memref<128x128xf32, #tpu.memory_space<vmem>>) target(%dma_start3A_27 : memref<10240x128xf32, #tpu.memory_space<vmem_shared>>) offsets(%arg8 : memref<128xi32, #tpu.memory_space<vmem>>) semaphore(%run_scoped3A : memref<!tpu.dma_semaphore, #tpu.memory_space<semaphore_mem>>) {add = true}
        %dma_wait3A_28 = arith.constant 0 : i32
        %dma_wait3A_29 = arith.constant 0 : i32
        %dma_wait3A_30 = tpu.memref_slice %arg11[%dma_wait3A_28, %dma_wait3A_29] : memref<10240x128xf32, #tpu.memory_space<vmem_shared>> -> memref<10240x128xf32, #tpu.memory_space<vmem_shared>>
        tpu.wait_indirect_dma semaphore(%run_scoped3A : memref<!tpu.dma_semaphore, #tpu.memory_space<semaphore_mem>>) src(%arg9 : memref<128x128xf32, #tpu.memory_space<vmem>>) dst(%dma_wait3A_30 : memref<10240x128xf32, #tpu.memory_space<vmem_shared>>)
        tpu.yield
      }) : () -> ()
    }
    %scan3A_13 = arith.constant 80 : i32
    %barrier3A_14 = arith.constant 0 : index
    tpu.barrier barrier_id(%barrier3A_14)
    "tpu.region"() ({
      %run_scoped3A = tpu.sem_alloc : memref<!tpu.dma_semaphore, #tpu.memory_space<semaphore_mem>>
      %dma_start3A = arith.constant 0 : i32
      %dma_start3A_15 = tpu.memref_slice %arg6[%arg0, %mul3A_2, %dma_start3A] : memref<2x10240x128xf32, #tpu.memory_space<hbm>> -> memref<1x640x128xf32, #tpu.memory_space<hbm>>
      %dma_start3A_16 = tpu.memref_squeeze %dma_start3A_15 : memref<1x640x128xf32, #tpu.memory_space<hbm>> -> memref<640x128xf32, #tpu.memory_space<hbm>>
      %dma_start3A_17 = arith.constant 0 : i32
      %dma_start3A_18 = tpu.memref_slice %arg11[%mul3A_2, %dma_start3A_17] : memref<10240x128xf32, #tpu.memory_space<vmem_shared>> -> memref<640x128xf32, #tpu.memory_space<vmem_shared>>
      tpu.enqueue_dma source(%dma_start3A_18 : memref<640x128xf32, #tpu.memory_space<vmem_shared>>) target(%dma_start3A_16 : memref<640x128xf32, #tpu.memory_space<hbm>>) target_semaphore(%run_scoped3A : memref<!tpu.dma_semaphore, #tpu.memory_space<semaphore_mem>>)
      %dma_wait3A = arith.constant 0 : i32
      %dma_wait3A_19 = tpu.memref_slice %arg6[%arg0, %mul3A_2, %dma_wait3A] : memref<2x10240x128xf32, #tpu.memory_space<hbm>> -> memref<1x640x128xf32, #tpu.memory_space<hbm>>
      %dma_wait3A_20 = tpu.memref_squeeze %dma_wait3A_19 : memref<1x640x128xf32, #tpu.memory_space<hbm>> -> memref<640x128xf32, #tpu.memory_space<hbm>>
      %dma_wait3A_21 = arith.constant 0 : i32
      %dma_wait3A_22 = tpu.memref_slice %arg11[%mul3A_2, %dma_wait3A_21] : memref<10240x128xf32, #tpu.memory_space<vmem_shared>> -> memref<640x128xf32, #tpu.memory_space<vmem_shared>>
      tpu.wait_dma2 semaphore(%run_scoped3A : memref<!tpu.dma_semaphore, #tpu.memory_space<semaphore_mem>>) src(%dma_wait3A_22 : memref<640x128xf32, #tpu.memory_space<vmem_shared>>) dst(%dma_wait3A_20 : memref<640x128xf32, #tpu.memory_space<hbm>>)
      tpu.yield
    }) : () -> ()
    return
  }
}

module attributes {stable_mosaic.version = 14 : i64} {
  func.func @_tc_pool_body(%arg0: i32, %arg1: memref<2048x128xf32, #tpu.memory_space<vmem>>, %arg2: memref<1x1x2048xi32, #tpu.memory_space<vmem>>, %arg3: memref<128x128xf32, #tpu.memory_space<vmem>>, %arg4: memref<1x128xf32, #tpu.memory_space<vmem>>, %arg5: memref<16x128xf32, #tpu.memory_space<vmem>>, %arg6: memref<16x128xf32, #tpu.memory_space<vmem>>, %arg7: memref<16x128xf32, #tpu.memory_space<vmem>>) attributes {dimension_semantics = [#tpu.dimension_semantics<arbitrary>], iteration_bounds = array<i64: 5>, scalar_prefetch = 0 : i64, scratch_operands = 2 : i64, tpu.core_type = #tpu.core_type<tc>, window_params = [{transform_indices = @transform_0, window_bounds = array<i64: 2048, 128>}, {transform_indices = @transform_1, window_bounds = array<i64: 1, 1, 2048>}, {pipeline_mode = #tpu.pipeline_mode<synchronous>, transform_indices = @transform_2, window_bounds = array<i64: 128, 128>}, {pipeline_mode = #tpu.pipeline_mode<synchronous>, transform_indices = @transform_3, window_bounds = array<i64: 1, 128>}, {pipeline_mode = #tpu.pipeline_mode<synchronous>, transform_indices = @transform_4, window_bounds = array<i64: 16, 128>}]} {
    %eq3A = arith.constant 0 : i32
    %eq3A_0 = arith.cmpi eq, %arg0, %eq3A : i32
    %convert_element_type3A = arith.extui %eq3A_0 : i1 to i32
    %cond3A = arith.constant 0 : i32
    %cond3A_1 = arith.cmpi ne, %convert_element_type3A, %cond3A : i32
    scf.if %cond3A_1 {
      %broadcast_in_dim3A_36 = arith.constant 0.000000e+00 : f32
      %broadcast_in_dim3A_37 = vector.broadcast %broadcast_in_dim3A_36 : f32 to vector<16x128xf32>
      %swap3A_38 = arith.constant 0 : index
      %swap3A_39 = arith.constant 0 : index
      %swap3A_40 = vector.load %arg6[%swap3A_38, %swap3A_39] : memref<16x128xf32, #tpu.memory_space<vmem>>, vector<16x128xf32>
      tpu.vector_store %arg6[%swap3A_38, %swap3A_39], %broadcast_in_dim3A_37 {strides = array<i32>} : memref<16x128xf32, #tpu.memory_space<vmem>>, vector<16x128xf32>,
      %broadcast_in_dim3A_41 = arith.constant 0.000000e+00 : f32
      %broadcast_in_dim3A_42 = vector.broadcast %broadcast_in_dim3A_41 : f32 to vector<16x128xf32>
      %swap3A_43 = arith.constant 0 : index
      %swap3A_44 = arith.constant 0 : index
      %swap3A_45 = vector.load %arg7[%swap3A_43, %swap3A_44] : memref<16x128xf32, #tpu.memory_space<vmem>>, vector<16x128xf32>
      tpu.vector_store %arg7[%swap3A_43, %swap3A_44], %broadcast_in_dim3A_42 {strides = array<i32>} : memref<16x128xf32, #tpu.memory_space<vmem>>, vector<16x128xf32>,
    } else {
    }
    %get3A = arith.constant 0 : index
    %get3A_2 = arith.constant 0 : index
    %get3A_3 = arith.constant 0 : index
    %get3A_4 = vector.load %arg2[%get3A, %get3A_2, %get3A_3] : memref<1x1x2048xi32, #tpu.memory_space<vmem>>, vector<1x1x2048xi32>
    %get3A_5 = vector.shape_cast %get3A_4 : vector<1x1x2048xi32> to vector<2048xi32>
    %broadcast_in_dim3A = vector.shape_cast %get3A_5 : vector<2048xi32> to vector<2048x1xi32>
    %iota3A = tpu.iota {dimensions = array<i32: 1>} : vector<1x16xi32>
    %eq3A_6 = vector.broadcast %broadcast_in_dim3A : vector<2048x1xi32> to vector<2048x16xi32>
    %eq3A_7 = vector.broadcast %iota3A : vector<1x16xi32> to vector<2048x16xi32>
    %eq3A_8 = arith.cmpi eq, %eq3A_6, %eq3A_7 : vector<2048x16xi32>
    %convert_element_type3A_9 = arith.extui %eq3A_8 : vector<2048x16xi1> to vector<2048x16xi32>
    %convert_element_type3A_10 = arith.sitofp %convert_element_type3A_9 : vector<2048x16xi32> to vector<2048x16xf32>
    %get3A_11 = arith.constant 0 : index
    %get3A_12 = arith.constant 0 : index
    %get3A_13 = vector.load %arg6[%get3A_11, %get3A_12] : memref<16x128xf32, #tpu.memory_space<vmem>>, vector<16x128xf32>
    %get3A_14 = arith.constant 0 : index
    %get3A_15 = arith.constant 0 : index
    %get3A_16 = vector.load %arg1[%get3A_14, %get3A_15] : memref<2048x128xf32, #tpu.memory_space<vmem>>, vector<2048x128xf32>
    %dot_general3A = arith.constant dense<0.000000e+00> : vector<16x128xf32>
    %dot_general3A_17 = tpu.matmul %convert_element_type3A_10, %get3A_16, %dot_general3A {dimension_numbers = #tpu.dot_dimension_numbers<[0], [0], [1], [1], [0, 1, 1, 1], [], []>, transpose_lhs_hint = false} : vector<2048x16xf32>, vector<2048x128xf32>, vector<16x128xf32> -> vector<16x128xf32>
    %add3A = arith.addf %get3A_13, %dot_general3A_17 : vector<16x128xf32>
    %swap3A = arith.constant 0 : index
    %swap3A_18 = arith.constant 0 : index
    %swap3A_19 = vector.load %arg6[%swap3A, %swap3A_18] : memref<16x128xf32, #tpu.memory_space<vmem>>, vector<16x128xf32>
    tpu.vector_store %arg6[%swap3A, %swap3A_18], %add3A {strides = array<i32>} : memref<16x128xf32, #tpu.memory_space<vmem>>, vector<16x128xf32>,
    %get3A_20 = arith.constant 0 : index
    %get3A_21 = arith.constant 0 : index
    %get3A_22 = vector.load %arg7[%get3A_20, %get3A_21] : memref<16x128xf32, #tpu.memory_space<vmem>>, vector<16x128xf32>
    %broadcast_in_dim3A_23 = arith.constant 1.000000e+00 : f32
    %broadcast_in_dim3A_24 = vector.broadcast %broadcast_in_dim3A_23 : f32 to vector<2048x128xf32>
    %dot_general3A_25 = arith.constant dense<0.000000e+00> : vector<16x128xf32>
    %dot_general3A_26 = tpu.matmul %convert_element_type3A_10, %broadcast_in_dim3A_24, %dot_general3A_25 {dimension_numbers = #tpu.dot_dimension_numbers<[0], [0], [1], [1], [0, 1, 1, 1], [], []>, transpose_lhs_hint = false} : vector<2048x16xf32>, vector<2048x128xf32>, vector<16x128xf32> -> vector<16x128xf32>
    %add3A_27 = arith.addf %get3A_22, %dot_general3A_26 : vector<16x128xf32>
    %swap3A_28 = arith.constant 0 : index
    %swap3A_29 = arith.constant 0 : index
    %swap3A_30 = vector.load %arg7[%swap3A_28, %swap3A_29] : memref<16x128xf32, #tpu.memory_space<vmem>>, vector<16x128xf32>
    tpu.vector_store %arg7[%swap3A_28, %swap3A_29], %add3A_27 {strides = array<i32>} : memref<16x128xf32, #tpu.memory_space<vmem>>, vector<16x128xf32>,
    %eq3A_31 = arith.constant 4 : i32
    %eq3A_32 = arith.cmpi eq, %arg0, %eq3A_31 : i32
    %convert_element_type3A_33 = arith.extui %eq3A_32 : i1 to i32
    %cond3A_34 = arith.constant 0 : i32
    %cond3A_35 = arith.cmpi ne, %convert_element_type3A_33, %cond3A_34 : i32
    scf.if %cond3A_35 {
      %get3A_36 = arith.constant 0 : index
      %get3A_37 = arith.constant 0 : index
      %get3A_38 = vector.load %arg6[%get3A_36, %get3A_37] : memref<16x128xf32, #tpu.memory_space<vmem>>, vector<16x128xf32>
      %get3A_39 = arith.constant 0 : index
      %get3A_40 = arith.constant 0 : index
      %get3A_41 = vector.load %arg7[%get3A_39, %get3A_40] : memref<16x128xf32, #tpu.memory_space<vmem>>, vector<16x128xf32>
      %max3A = arith.constant 1.000000e+00 : f32
      %max3A_42 = vector.broadcast %max3A : f32 to vector<16x128xf32>
      %max3A_43 = arith.maximumf %get3A_41, %max3A_42 : vector<16x128xf32>
      %div3A = arith.divf %get3A_38, %max3A_43 : vector<16x128xf32>
      %get3A_44 = arith.constant 0 : index
      %get3A_45 = arith.constant 0 : index
      %get3A_46 = vector.load %arg3[%get3A_44, %get3A_45] : memref<128x128xf32, #tpu.memory_space<vmem>>, vector<128x128xf32>
      %dot_general3A_47 = arith.constant dense<0.000000e+00> : vector<16x128xf32>
      %dot_general3A_48 = tpu.matmul %div3A, %get3A_46, %dot_general3A_47 {dimension_numbers = #tpu.dot_dimension_numbers<[1], [0], [0], [1], [0, 0, 1, 1], [], []>, transpose_lhs_hint = false} : vector<16x128xf32>, vector<128x128xf32>, vector<16x128xf32> -> vector<16x128xf32>
      %get3A_49 = arith.constant 0 : index
      %get3A_50 = arith.constant 0 : index
      %get3A_51 = vector.load %arg4[%get3A_49, %get3A_50] : memref<1x128xf32, #tpu.memory_space<vmem>>, vector<1x128xf32>
      %add3A_52 = vector.broadcast %get3A_51 : vector<1x128xf32> to vector<16x128xf32>
      %add3A_53 = arith.addf %dot_general3A_48, %add3A_52 : vector<16x128xf32>
      %swap3A_54 = arith.constant 0 : index
      %swap3A_55 = arith.constant 0 : index
      %swap3A_56 = vector.load %arg5[%swap3A_54, %swap3A_55] : memref<16x128xf32, #tpu.memory_space<vmem>>, vector<16x128xf32>
      tpu.vector_store %arg5[%swap3A_54, %swap3A_55], %add3A_53 {strides = array<i32>} : memref<16x128xf32, #tpu.memory_space<vmem>>, vector<16x128xf32>,
    } else {
    }
    return
  }
  func.func @transform_0(%arg0: i32) -> (i32, i32) {
    %c0_i32 = arith.constant 0 : i32
    %c0_i32_0 = arith.constant 0 : i32
    return %arg0, %c0_i32 : i32, i32
  }
  func.func @transform_1(%arg0: i32) -> (i32, i32, i32) {
    %c0_i32 = arith.constant 0 : i32
    %c0_i32_0 = arith.constant 0 : i32
    %c0_i32_1 = arith.constant 0 : i32
    return %arg0, %c0_i32, %c0_i32_0 : i32, i32, i32
  }
  func.func @transform_2(%arg0: i32) -> (i32, i32) {
    %c0_i32 = arith.constant 0 : i32
    %c0_i32_0 = arith.constant 0 : i32
    %c0_i32_1 = arith.constant 0 : i32
    return %c0_i32, %c0_i32_0 : i32, i32
  }
  func.func @transform_3(%arg0: i32) -> (i32, i32) {
    %c0_i32 = arith.constant 0 : i32
    %c0_i32_0 = arith.constant 0 : i32
    %c0_i32_1 = arith.constant 0 : i32
    return %c0_i32, %c0_i32_0 : i32, i32
  }
  func.func @transform_4(%arg0: i32) -> (i32, i32) {
    %c0_i32 = arith.constant 0 : i32
    %c0_i32_0 = arith.constant 0 : i32
    %c0_i32_1 = arith.constant 0 : i32
    return %c0_i32, %c0_i32_0 : i32, i32
  }
}

module attributes {stable_mosaic.version = 14 : i64} {
  func.func @_tc_layer_body(%arg0: i32, %arg1: memref<2048x128xf32, #tpu.memory_space<vmem>>, %arg2: memref<2x2048x128xf32, #tpu.memory_space<vmem>>, %arg3: memref<128x128xf32, #tpu.memory_space<vmem>>, %arg4: memref<1x128xf32, #tpu.memory_space<vmem>>, %arg5: memref<2048x128xf32, #tpu.memory_space<vmem>>) attributes {dimension_semantics = [#tpu.dimension_semantics<arbitrary>], iteration_bounds = array<i64: 5>, scalar_prefetch = 0 : i64, scratch_operands = 0 : i64, tpu.core_type = #tpu.core_type<tc>, window_params = [{transform_indices = @transform_0, window_bounds = array<i64: 2048, 128>}, {transform_indices = @transform_1, window_bounds = array<i64: 2, 2048, 128>}, {pipeline_mode = #tpu.pipeline_mode<synchronous>, transform_indices = @transform_2, window_bounds = array<i64: 128, 128>}, {pipeline_mode = #tpu.pipeline_mode<synchronous>, transform_indices = @transform_3, window_bounds = array<i64: 1, 128>}, {transform_indices = @transform_4, window_bounds = array<i64: 2048, 128>}]} {
    %get3A = arith.constant 0 : index
    %get3A_0 = arith.constant 0 : index
    %get3A_1 = vector.load %arg1[%get3A, %get3A_0] : memref<2048x128xf32, #tpu.memory_space<vmem>>, vector<2048x128xf32>
    %get3A_2 = arith.constant 0 : index
    %get3A_3 = arith.constant 0 : index
    %get3A_4 = arith.constant 0 : index
    %get3A_5 = vector.load %arg2[%get3A_2, %get3A_3, %get3A_4] : memref<2x2048x128xf32, #tpu.memory_space<vmem>>, vector<1x2048x128xf32>
    %get3A_6 = vector.shape_cast %get3A_5 : vector<1x2048x128xf32> to vector<2048x128xf32>
    %add3A = arith.addf %get3A_1, %get3A_6 : vector<2048x128xf32>
    %get3A_7 = arith.constant 1 : index
    %get3A_8 = arith.constant 0 : index
    %get3A_9 = arith.constant 0 : index
    %get3A_10 = vector.load %arg2[%get3A_7, %get3A_8, %get3A_9] : memref<2x2048x128xf32, #tpu.memory_space<vmem>>, vector<1x2048x128xf32>
    %get3A_11 = vector.shape_cast %get3A_10 : vector<1x2048x128xf32> to vector<2048x128xf32>
    %add3A_12 = arith.addf %add3A, %get3A_11 : vector<2048x128xf32>
    %get3A_13 = arith.constant 0 : index
    %get3A_14 = arith.constant 0 : index
    %get3A_15 = vector.load %arg3[%get3A_13, %get3A_14] : memref<128x128xf32, #tpu.memory_space<vmem>>, vector<128x128xf32>
    %dot_general3A = arith.constant dense<0.000000e+00> : vector<2048x128xf32>
    %dot_general3A_16 = tpu.matmul %add3A_12, %get3A_15, %dot_general3A {dimension_numbers = #tpu.dot_dimension_numbers<[1], [0], [0], [1], [0, 0, 1, 1], [], []>, transpose_lhs_hint = false} : vector<2048x128xf32>, vector<128x128xf32>, vector<2048x128xf32> -> vector<2048x128xf32>
    %get3A_17 = arith.constant 0 : index
    %get3A_18 = arith.constant 0 : index
    %get3A_19 = vector.load %arg4[%get3A_17, %get3A_18] : memref<1x128xf32, #tpu.memory_space<vmem>>, vector<1x128xf32>
    %add3A_20 = vector.broadcast %get3A_19 : vector<1x128xf32> to vector<2048x128xf32>
    %add3A_21 = arith.addf %dot_general3A_16, %add3A_20 : vector<2048x128xf32>
    %max3A = arith.constant 0.000000e+00 : f32
    %max3A_22 = vector.broadcast %max3A : f32 to vector<2048x128xf32>
    %max3A_23 = arith.maximumf %add3A_21, %max3A_22 : vector<2048x128xf32>
    %swap3A = arith.constant 0 : index
    %swap3A_24 = arith.constant 0 : index
    %swap3A_25 = vector.load %arg5[%swap3A, %swap3A_24] : memref<2048x128xf32, #tpu.memory_space<vmem>>, vector<2048x128xf32>
    tpu.vector_store %arg5[%swap3A, %swap3A_24], %max3A_23 {strides = array<i32>} : memref<2048x128xf32, #tpu.memory_space<vmem>>, vector<2048x128xf32>,
    return
  }
  func.func @transform_0(%arg0: i32) -> (i32, i32) {
    %c0_i32 = arith.constant 0 : i32
    %c0_i32_0 = arith.constant 0 : i32
    return %arg0, %c0_i32 : i32, i32
  }
  func.func @transform_1(%arg0: i32) -> (i32, i32, i32) {
    %c0_i32 = arith.constant 0 : i32
    %c0_i32_0 = arith.constant 0 : i32
    %c0_i32_1 = arith.constant 0 : i32
    return %c0_i32, %arg0, %c0_i32_0 : i32, i32, i32
  }
  func.func @transform_2(%arg0: i32) -> (i32, i32) {
    %c0_i32 = arith.constant 0 : i32
    %c0_i32_0 = arith.constant 0 : i32
    %c0_i32_1 = arith.constant 0 : i32
    return %c0_i32, %c0_i32_0 : i32, i32
  }
  func.func @transform_3(%arg0: i32) -> (i32, i32) {
    %c0_i32 = arith.constant 0 : i32
    %c0_i32_0 = arith.constant 0 : i32
    %c0_i32_1 = arith.constant 0 : i32
    return %c0_i32, %c0_i32_0 : i32, i32
  }
  func.func @transform_4(%arg0: i32) -> (i32, i32) {
    %c0_i32 = arith.constant 0 : i32
    %c0_i32_0 = arith.constant 0 : i32
    return %arg0, %c0_i32 : i32, i32
  }
}

</mosaic_0001>

<sc_bundles>
// kernel: kernel.10.cloned.1.call-start
scs
__scs_entry_jumppad:
0x0: {  	(pc) =	sbr.rel $0x88, $3  }
0x1: {  	(tag) =	ssettag $0x0;
	lr =	simm.s32 $0x1  }
0x2: {  	[smem:$0x3F95] =	sst lr;
	_ =	strace $0xD0000000  }
0x3: {  	_ = 	snop  }
0x4: {  	_ = 	snop  }
0x5: {  	_ = 	snop  }
0x6: {  	_ = 	snop  }
0x7: {  	_ = 	snop  }
__scs_overlays_trampoline_lowered:
0x8: {  	[smem:$0x3FA4] =	sst s0  }
0x9: {  	[smem:$0x3FA5] =	sst s1  }
0xa: {  	[smem:$0x3FA6] =	sst s2  }
0xb: {  	[smem:$0x3FA7] =	sst s3  }
0xc: {  	[smem:$0x3FA8] =	sst s4  }
0xd: {  	[smem:$0x3FA9] =	sst s5  }
0xe: {  	[smem:$0x3FAA] =	sst s6  }
0xf: {  	[smem:$0x3FAB] =	sst s7  }
0x10: {  	[smem:$0x3FAC] =	sst s8  }
0x11: {  	[smem:$0x3FAD] =	sst s9;
	s0 =	simm.s32 @!p0 $0x0  }
0x12: {  	s1 =	sld [smem:$0x3F93];
	s0 =	simm.s32 @p0 $0x1  }
0x13: {  	[smem:$0x3FAE] =	sst s0;
	s0 =	simm.s32 @!p1 $0x0  }
0x14: {  	s2 =	sld [smem:$0x3F92];
	s0 =	simm.s32 @p1 $0x1  }
0x15: {  	[smem:$0x3FAF] =	sst s0;
	s0 =	simm.s32 @!p2 $0x0  }
0x16: {  	s3 =	sld [smem:$0x3FDB];
	s0 =	simm.s32 @p2 $0x1  }
0x17: {  	s4 =	simm.s32 $0x1BF5;
	[smem:$0x3FB1] =	sst s0  }
0x18: {  	s0 =	sld [smem:$0x3F94];
	_ =	swait.ge [sflag:s4], $0x0  }
0x19: {  	s7 =	sld [smem:$0x3F95]  }
0x1a: {  	s8 =	sadd.s32 $0xFFFFE003, lr  }
0x1b: {  	s9 =	sadd.s32 $0xFFFFFEF7, lr;
	s5 =	simm.s32 $0xFFFFFFFF;
	p2 =	slt.u32 s8, $0xFFFFF086  }
0x1c: {  	p1 =	slt.u32 s9, $0xF7A;
	s5 =	simm.s32 @!p2 $0x0  }
0x1d: {  	s5 =	simm.s32 @p1 $0x1;
	p0 =	seq.s32 s7, s2  }
0x1e: {  	s7 =	smul.u32 @!p0 $0xF7A, s2;
	p2 =	seq.s32 @!p0 s5, $0x0  }
0x1f: {  	s9 =	smul.u32 $0xF7A, s1;
	s8 =	simm.s32 @!p0 $0x1BF5;
	p2 =	por !p2, p0  }
0x20: {  	[sflag:s8] =	ssyncset.s32 @!p0 $0xFFFFF086;
	s6 =	sadd.s32 @!p0 s3, s7;
	s7 =	simm.s32 @!p0 $0x108  }
0x21: {  	s3 =	sadd.s32 s3, s9;
	s6 =	sadd.s32 @!p0 $0x88, s6;
	s7 =	simm.s32 @p2 $0x1082  }
0x22: {  	[simem:s7], [sflag:s8] =	dma.local @!p0 [hbm:s6], $0xF7A  }
0x23: {  	s9 =	sor.u32 $0xD0000000, s2;
	s6 =	simm.s32 $0x108;
	_ =	swait.ge @!p0 [sflag:s8], $0x0  }
0x24: {  	s3 =	sadd.s32 $0x88, s3;
	s6 =	simm.s32 @!p1 $0x1082;
	[sflag:s4] =	ssyncset.s32 $0xFFFFF086  }
0x25: {  	[simem:s6], [sflag:s4] =	dma.local [hbm:s3], $0xF7A  }
0x26: {  	[smem:$0x3F95] =	sst s1;
	(tag) =	ssettag s2;
	_ =	strace s9  }
0x27: {  	s1 =	sld [smem:$0x3FA5]  }
0x28: {  	s2 =	sld [smem:$0x3FA6]  }
0x29: {  	s4 =	sld [smem:$0x3FA8]  }
0x2a: {  	p0 =	seq.s32 s5, $0x0;
	s5 =	sld [smem:$0x3FA9]  }
0x2b: {  	s6 =	sld [smem:$0x3FAA]  }
0x2c: {  	s7 =	sld [smem:$0x3FAB]  }
0x2d: {  	s3 =	simm.s32 $0x108;
	s8 =	sld [smem:$0x3FAC]  }
0x2e: {  	s3 =	simm.s32 @!p0 $0x1082;
	s9 =	sld [smem:$0x3FAD]  }
0x2f: {  	lr =	sadd.s32 s0, s3;
	s0 =	sld [smem:$0x3FA4]  }
0x30: {  	s3 =	sld [smem:$0x3FA7]  }
0x31: {  	[smem:$0x3FB0] =	sst s10  }
0x32: {  	s10 =	sld [smem:$0x3FAE];
	_ =	sdelay $0x3  }
0x33: {  	p0 =	seq.s32 s10, $0x1;
	s10 =	sld [smem:$0x3FB0];
	_ =	sdelay $0x3  }
0x34: {  	[smem:$0x3FB0] =	sst s10  }
0x35: {  	s10 =	sld [smem:$0x3FAF];
	_ =	sdelay $0x3  }
0x36: {  	p1 =	seq.s32 s10, $0x1;
	s10 =	sld [smem:$0x3FB0];
	_ =	sdelay $0x3  }
0x37: {  	[smem:$0x3FB0] =	sst s10  }
0x38: {  	s10 =	sld [smem:$0x3FB1]  }
0x39: {  	_ = 	snop;
	(pc) =	sbr.ind lr, $3  }
0x3a: {  	_ = 	snop  }
0x3b: {  	_ = 	snop  }
0x3c: {  	p2 =	seq.s32 s10, $0x1;
	s10 =	sld [smem:$0x3FB0]  }
0x3d: {  	_ =	shalt  }
0x3e: {  	_ =	shalt  }
0x3f: {  	_ =	shalt  }
0x40: {  	_ =	shalt  }
0x41: {  	_ =	shalt  }
0x42: {  	_ =	shalt  }
0x43: {  	_ =	shalt  }
0x44: {  	_ =	shalt  }
0x45: {  	_ =	shalt  }
0x46: {  	_ =	shalt  }
0x47: {  	_ =	shalt  }
0x48: {  	_ =	shalt  }
0x49: {  	_ =	shalt  }
0x4a: {  	_ =	shalt  }
0x4b: {  	_ =	shalt  }
0x4c: {  	_ =	shalt  }
0x4d: {  	_ =	shalt  }
0x4e: {  	_ =	shalt  }
0x4f: {  	_ =	shalt  }
0x50: {  	_ =	shalt  }
0x51: {  	_ =	shalt  }
0x52: {  	_ =	shalt  }
0x53: {  	_ =	shalt  }
0x54: {  	_ =	shalt  }
0x55: {  	_ =	shalt  }
0x56: {  	_ =	shalt  }
0x57: {  	_ =	shalt  }
0x58: {  	_ =	shalt  }
0x59: {  	_ =	shalt  }
0x5a: {  	_ =	shalt  }
0x5b: {  	_ =	shalt  }
0x5c: {  	_ =	shalt  }
0x5d: {  	_ =	shalt  }
0x5e: {  	_ =	shalt  }
0x5f: {  	_ =	shalt  }
0x60: {  	_ =	shalt  }
0x61: {  	_ =	shalt  }
0x62: {  	_ =	shalt  }
0x63: {  	_ =	shalt  }
0x64: {  	_ =	shalt  }
0x65: {  	_ =	shalt  }
0x66: {  	_ =	shalt  }
0x67: {  	_ =	shalt  }
0x68: {  	_ =	shalt  }
0x69: {  	_ =	shalt  }
0x6a: {  	_ =	shalt  }
0x6b: {  	_ =	shalt  }
0x6c: {  	_ =	shalt  }
0x6d: {  	_ =	shalt  }
0x6e: {  	_ =	shalt  }
0x6f: {  	_ =	shalt  }
0x70: {  	_ =	shalt  }
0x71: {  	_ =	shalt  }
0x72: {  	_ =	shalt  }
0x73: {  	_ =	shalt  }
0x74: {  	_ =	shalt  }
0x75: {  	_ =	shalt  }
0x76: {  	_ =	shalt  }
0x77: {  	_ =	shalt  }
0x78: {  	_ =	shalt  }
0x79: {  	_ =	shalt  }
0x7a: {  	_ =	shalt  }
0x7b: {  	_ =	shalt  }
0x7c: {  	_ =	shalt  }
0x7d: {  	_ =	shalt  }
0x7e: {  	_ =	shalt  }
0x7f: {  	_ =	shalt  }
0x80: {  	_ =	shalt  }
0x81: {  	_ =	shalt  }
0x82: {  	_ =	shalt  }
0x83: {  	_ =	shalt  }
0x84: {  	_ =	shalt  }
0x85: {  	_ =	shalt  }
0x86: {  	_ =	shalt  }
0x87: {  	_ =	shalt  }
.Lfunc_end0:
.L_simem_size_0:
called_computation_lowered:
.L_overlay_start_0:
0x88: {  	s2 =	sld [smem:$0x3FD9]  }
0x89: {  	s3 =	sld [smem:$0x3FFE];
	_ =	sdelay $0x1  }
0x8a: {  	s1 =	srdreg.scid  }
0x8b: {  	s0 =	sand.u32 $0x1, s1  }
0x8c: {  	s17 =	sshll.u32 s0, $0xA;
	s2 =	sadd.s32 s3, s2  }
0x8d: {  	s2 =	sadd.s32 s2, s17  }
0x8e: {  	[smem:$0x3FBC] =	sst s2  }
0x8f: {  	_ = 	snop  }
0x90: {  	s2 =	sld [smem:$0x3FC6];
	(tm) =	ssettm $0x1  }
0x91: {  	s18 =	sld [smem:$0x3FFB];
	_ =	sdelay $0x3  }
0x92: {  	_ =	strace s18  }
0x93: {  	s3 =	sld [smem:$0x3FFC];
	_ =	sdelay $0x3  }
0x94: {  	_ =	strace s3  }
0x95: {  	s3 =	sld [smem:$0x3FFD];
	_ =	sdelay $0x3  }
0x96: {  	_ =	strace s3  }
0x97: {  	_ =	strace $0x8FFFFFFF  }
0x98: {  	s19 =	sld [smem:$0x3FDB];
	_ =	sdelay $0x1  }
0x99: {  	s4 =	simm.s32 $_scs_section_size  }
0x9a: {  	s5 =	simm.s32 $_size__tile_overlayer_lowered;
	s6 =	simm.s32 $_tile_overlayer_lowered  }
0x9b: {  	s22 =	simm.s32 $0x1BFF;
	s21 =	sshll.u32 s6, $0x1;
	s3 =	sadd.s32 s4, s19  }
0x9c: {  	s7 =	simm.s32 $0x0;
	s20 =	sshll.u32 s5, $0x1;
	s5 =	sadd.s32 s21, s3  }
0x9d: {  	[timem:s7], [sflag:s22] =	dma.local [hbm:s5], s20  }
0x9e: {  	_ =	swait.ge [sflag:s22], s20  }
0x9f: {  	s4 =	ssub.s32 $0x0, s20;
	[sflag:s22] =	ssyncset.done $0x0  }
0xa0: {  	[sflag:s22] =	ssyncadd.s32 s4;
	_ =	sdelay $0x1  }
0xa1: {  	s23 =	simm.s32 $0x1B8B  }
0xa2: {  	_ =	swait.ge [sflag:s23], $0x1  }
0xa3: {  	[sflag:s23] =	ssyncset.done $0x0  }
0xa4: {  	s25 =	simm.s32 $0x1B8E;
	s24 =	sld [smem:$0x3FFE];
	[sflag:s23] =	ssyncadd.s32 $0xFFFFFFFF  }
0xa5: {  	s26 =	simm.s32 $execute0_lowered;
	[smem:$0x3FD2] =	sst s25  }
0xa6: {  	s5 =	sshll.u32 s26, $0x1;
	_ =	strace $0x80000046;
	[dreg:$0x1] =	wrdreg $0xFFFFFFFF  }
0xa7: {  	s28 =	simm.s32 $_size_execute0_lowered;
	s3 =	sadd.s32 s3, s5;
	[dreg:$0x0] =	wrdreg $0x0  }
0xa8: {  	s5 =	sshll.u32 s28, $0x1;
	[dreg:$0x2] =	wrdreg s3  }
0xa9: {  	[dreg:$0x3] =	wrdreg s5  }
0xaa: {  	[dreg:$0x4] =	wrdreg $0xC0  }
0xab: {  	_ =	task [dreg:s7], $0x5FFFF  }
0xac: {  	[dreg:$0x1] =	wrdreg $0xFFFFFFFF  }
0xad: {  	[dreg:$0x0] =	wrdreg $0x60  }
0xae: {  	[dreg:$0x2] =	wrdreg s24  }
0xaf: {  	[dreg:$0x3] =	wrdreg s2  }
0xb0: {  	[dreg:$0x4] =	wrdreg $0x9  }
0xb1: {  	_ =	task.clear_ibuf [dreg:s7], $0x5FFFF;
	_ =	strace $0x90000046  }
0xb2: {  	s29 =	simm.s32 $0x9;
	_ =	strace $0x80000048  }
0xb3: {  	_ =	swait.ge [sflag:s29], $0x1  }
0xb4: {  	[sflag:s29] =	ssyncadd.s32 $0xFFFFFFFF  }
0xb5: {  	_ =	strace $0x90000048  }
0xb6: {  	_ =	sfence  }
0xb7: {  	s30 =	sld [smem:$0x0];
	_ =	sdelay $0x2  }
0xb8: {  	s31 =	sshll.u32 s1, $0xD;
	s1 =	sshrl.u32 s1, $0x2  }
0xb9: {  	s3 =	sand.u32 $0x4000, s31;
	s1 =	sadd.s32 s1, s30  }
0xba: {  	s0 =	sor.u32 s3, s0;
	s1 =	sshll.u32 s1, $0x11  }
0xbb: {  	s0 =	sor.u32 s1, s0  }
0xbc: {  	s0 =	sadd.s32 $0x8F2B, s0  }
0xbd: {  	[sflag:s0] =	ssyncadd.remote.s32 $0x1  }
0xbe: {  	_ =	sfence.sel $0xFFFF  }
0xbf: {  	[dreg:$0x0] =	wrdreg $0xFFFFFFFF;
	(pc) =	sbr.abs _section_cstart, $3  }
0xc0: {  	[dreg:$0x1] =	wrdreg $0xFFFFFFFF  }
0xc1: {  	_ =	task.clear_ibuf [dreg:s7], $0x2FFFF;
	_ =	strace $0x9FFFFFFF  }
0xc2: {  	(tm) =	ssettm $0x7FFFFFFF  }
0xc3: {  	_ =	shalt  }
tec
execute0_lowered:
.L_overlay_start_1:
0x0: {  	(tag) =	ssettag $0x1  }
0x1: {  	s1 =	srdreg.scid;
	s0 =	stileid.u32  }
0x2: {  	s15 =	sand.u32 $0x1, s1;
	s28 =	sshll.u32 s0, $0x1  }
0x3: {  	s9 =	rddreg [dreg:$0x0];
	s10 =	sor.u32 s15, s28  }
0x4: {  	s2 =	rddreg [dreg:$0x1];
	s14 =	smul.u32 $0x140, s10  }
0x5: {  	s3 =	simm.s32 $0x0;
	s1 =	rddreg [dreg:$0x2]  }
0x6: {  	[smem:$0x7FF] =	sst s3;
	s16 =	sadd.s32 $0x3200, s9;
	s4 =	sshrl.u32 s14, $0x3  }
0x7: {  	_ =	strace $0x80000047;
	s5 =	sadd.s32 s16, s4;
	s4 =	simm.s32 $0x2  }
0x8: {  	[tilespmem:s3], [sflag:$0x2] =	stream.linear.gather [hbm4b:s5+s3], $0x50, $0x38;
	[tilespmem:$0x2880] =	vst v63  }
0x9: {  	_ =	swait.ge [sflag:s4], $0x50  }
0xa: {  	s6 =	simm.s32 $0x50;
	[sflag:s4] =	ssyncset.done $0x0  }
0xb: {  	s7 =	simm.s32 $0x80;
	s8 =	simm.s32 $0x1;
	[sflag:s4] =	ssyncadd.s32 $0xFFFFFFB0  }
0xc: {  	[tilespmem:s7], [sflag:$0x1] =	stream.indirect.gather [hbm4b:s2+s6], $0x80, s3, s6, $0xb8;
	[tilespmem:$0x2880] =	vst v63  }
0xd: {  	s10 =	smul.u32 $0x1400, s10;
	_ =	swait.ge [sflag:s8], $0x2800  }
0xe: {  	s17 =	sadd.s32 $0x3800, s9;
	[sflag:s8] =	ssyncset.done $0x0  }
0xf: {  	s9 =	sadd.s32 s17, s10;
	[sflag:s8] =	ssyncadd.s32 $0xFFFFD800  }
0x10: {  	[hbm4b:s9+s3] =	stream.linear.scatter [tilespmem:s7], [sflag:$0x2], $0x2800, $0x38;
	[tilespmem:$0x2880] =	vst v63  }
0x11: {  	s11 =	sadd.s32 $0x50, s14;
	_ =	swait.ge [sflag:s4], $0x2800  }
0x12: {  	s29 =	sshrl.u32 s11, $0x3;
	[sflag:s4] =	ssyncset.done $0x0  }
0x13: {  	s10 =	sadd.s32 s16, s29;
	[sflag:s4] =	ssyncadd.s32 $0xFFFFD800  }
0x14: {  	[tilespmem:s3], [sflag:$0x2] =	stream.linear.gather [hbm4b:s10+s3], $0x50, $0x38;
	[tilespmem:$0x2880] =	vst v63  }
0x15: {  	_ =	swait.ge [sflag:s4], $0x50  }
0x16: {  	[sflag:s4] =	ssyncset.done $0x0  }
0x17: {  	[sflag:s4] =	ssyncadd.s32 $0xFFFFFFB0  }
0x18: {  	[tilespmem:s7], [sflag:$0x1] =	stream.indirect.gather [hbm4b:s2+s6], $0x80, s3, s6, $0xb8;
	[tilespmem:$0x2880] =	vst v63  }
0x19: {  	_ =	swait.ge [sflag:s8], $0x2800  }
0x1a: {  	s11 =	sshll.u32 s11, $0x4;
	[sflag:s8] =	ssyncset.done $0x0  }
0x1b: {  	s11 =	sadd.s32 s17, s11;
	[sflag:s8] =	ssyncadd.s32 $0xFFFFD800  }
0x1c: {  	[hbm4b:s11+s3] =	stream.linear.scatter [tilespmem:s7], [sflag:$0x2], $0x2800, $0x38;
	[tilespmem:$0x2880] =	vst v63  }
0x1d: {  	s13 =	sadd.s32 $0xA0, s14;
	_ =	swait.ge [sflag:s4], $0x2800  }
0x1e: {  	s12 =	sshrl.u32 s13, $0x3;
	[sflag:s4] =	ssyncset.done $0x0  }
0x1f: {  	s12 =	sadd.s32 s16, s12;
	[sflag:s4] =	ssyncadd.s32 $0xFFFFD800  }
0x20: {  	[tilespmem:s3], [sflag:$0x2] =	stream.linear.gather [hbm4b:s12+s3], $0x50, $0x38;
	[tilespmem:$0x2880] =	vst v63  }
0x21: {  	_ =	swait.ge [sflag:s4], $0x50  }
0x22: {  	[sflag:s4] =	ssyncset.done $0x0  }
0x23: {  	[sflag:s4] =	ssyncadd.s32 $0xFFFFFFB0  }
0x24: {  	[tilespmem:s7], [sflag:$0x1] =	stream.indirect.gather [hbm4b:s2+s6], $0x80, s3, s6, $0xb8;
	[tilespmem:$0x2880] =	vst v63  }
0x25: {  	_ =	swait.ge [sflag:s8], $0x2800  }
0x26: {  	s13 =	sshll.u32 s13, $0x4;
	[sflag:s8] =	ssyncset.done $0x0  }
0x27: {  	s13 =	sadd.s32 s17, s13;
	[sflag:s8] =	ssyncadd.s32 $0xFFFFD800  }
0x28: {  	[hbm4b:s13+s3] =	stream.linear.scatter [tilespmem:s7], [sflag:$0x2], $0x2800, $0x38;
	[tilespmem:$0x2880] =	vst v63  }
0x29: {  	s18 =	sadd.s32 $0xF0, s14;
	_ =	swait.ge [sflag:s4], $0x2800  }
0x2a: {  	s14 =	sshrl.u32 s18, $0x3;
	[sflag:s4] =	ssyncset.done $0x0  }
0x2b: {  	s15 =	ssub.s32 $0x2, s15;
	s14 =	sadd.s32 s16, s14;
	[sflag:s4] =	ssyncadd.s32 $0xFFFFD800  }
0x2c: {  	[tilespmem:s3], [sflag:$0x2] =	stream.linear.gather [hbm4b:s14+s3], $0x50, $0x38;
	[tilespmem:$0x2880] =	vst v63  }
0x2d: {  	s30 =	sshrl.u32 s15, $0x1;
	_ =	swait.ge [sflag:s4], $0x50  }
0x2e: {  	s16 =	ssub.s32 s15, s30;
	[sflag:s4] =	ssyncset.done $0x0  }
0x2f: {  	s16 =	smax.u32 s16, $0x1;
	[sflag:s4] =	ssyncadd.s32 $0xFFFFFFB0  }
0x30: {  	[tilespmem:s7], [sflag:$0x1] =	stream.indirect.gather [hbm4b:s2+s6], $0x80, s3, s6, $0xb8;
	[tilespmem:$0x2880] =	vst v63  }
0x31: {  	p0 =	sne.s32 s16, $0x1;
	_ =	swait.ge [sflag:s8], $0x2800  }
.Ltmp0:
0x32: {  	s31 =	sshll.u32 s18, $0x4;
	[sflag:s8] =	ssyncset.done $0x0;
	(pc) =	sbr.rel @!p0 .LBB2_2-.Ltmp0, $4  }
0x33: {  	s15 =	sadd.s32 s17, s31;
	[sflag:s8] =	ssyncadd.s32 $0xFFFFD800  }
0x34: {  	[hbm4b:s15+s3] =	stream.linear.scatter [tilespmem:s7], [sflag:$0x2], $0x2800, $0x38;
	[tilespmem:$0x2880] =	vst v63  }
0x35: {  	_ =	swait.ge [sflag:s4], $0x2800  }
0x36: {  	s16 =	sadd.s32 $0xFFFFFFFF, s16;
	[sflag:s4] =	ssyncset.done $0x0  }
.LBB2_1:
0x37: {  	p0 =	sne.s32 s16, $0x1;
	s16 =	sadd.s32 $0xFFFFFFFF, s16;
	[sflag:s4] =	ssyncadd.s32 $0xFFFFD800  }
0x38: {  	[tilespmem:s3], [sflag:$0x2] =	stream.linear.gather [hbm4b:s5+s3], $0x50, $0x38;
	[tilespmem:$0x2880] =	vst v63  }
0x39: {  	_ =	swait.ge [sflag:s4], $0x50  }
0x3a: {  	[sflag:s4] =	ssyncset.done $0x0  }
0x3b: {  	[sflag:s4] =	ssyncadd.s32 $0xFFFFFFB0  }
0x3c: {  	[tilespmem:s7], [sflag:$0x1] =	stream.indirect.gather [hbm4b:s2+s6], $0x80, s3, s6, $0xb8;
	[tilespmem:$0x2880] =	vst v63  }
0x3d: {  	_ =	swait.ge [sflag:s8], $0x2800  }
0x3e: {  	[sflag:s8] =	ssyncset.done $0x0  }
0x3f: {  	[sflag:s8] =	ssyncadd.s32 $0xFFFFD800  }
0x40: {  	[hbm4b:s9+s3] =	stream.linear.scatter [tilespmem:s7], [sflag:$0x2], $0x2800, $0x38;
	[tilespmem:$0x2880] =	vst v63  }
0x41: {  	_ =	swait.ge [sflag:s4], $0x2800  }
0x42: {  	[sflag:s4] =	ssyncset.done $0x0  }
0x43: {  	[sflag:s4] =	ssyncadd.s32 $0xFFFFD800  }
0x44: {  	[tilespmem:s3], [sflag:$0x2] =	stream.linear.gather [hbm4b:s10+s3], $0x50, $0x38;
	[tilespmem:$0x2880] =	vst v63  }
0x45: {  	_ =	swait.ge [sflag:s4], $0x50  }
0x46: {  	[sflag:s4] =	ssyncset.done $0x0  }
0x47: {  	[sflag:s4] =	ssyncadd.s32 $0xFFFFFFB0  }
0x48: {  	[tilespmem:s7], [sflag:$0x1] =	stream.indirect.gather [hbm4b:s2+s6], $0x80, s3, s6, $0xb8;
	[tilespmem:$0x2880] =	vst v63  }
0x49: {  	_ =	swait.ge [sflag:s8], $0x2800  }
0x4a: {  	[sflag:s8] =	ssyncset.done $0x0  }
0x4b: {  	[sflag:s8] =	ssyncadd.s32 $0xFFFFD800  }
0x4c: {  	[hbm4b:s11+s3] =	stream.linear.scatter [tilespmem:s7], [sflag:$0x2], $0x2800, $0x38;
	[tilespmem:$0x2880] =	vst v63  }
0x4d: {  	_ =	swait.ge [sflag:s4], $0x2800  }
0x4e: {  	[sflag:s4] =	ssyncset.done $0x0  }
0x4f: {  	[sflag:s4] =	ssyncadd.s32 $0xFFFFD800  }
0x50: {  	[tilespmem:s3], [sflag:$0x2] =	stream.linear.gather [hbm4b:s12+s3], $0x50, $0x38;
	[tilespmem:$0x2880] =	vst v63  }
0x51: {  	_ =	swait.ge [sflag:s4], $0x50  }
0x52: {  	[sflag:s4] =	ssyncset.done $0x0  }
0x53: {  	[sflag:s4] =	ssyncadd.s32 $0xFFFFFFB0  }
0x54: {  	[tilespmem:s7], [sflag:$0x1] =	stream.indirect.gather [hbm4b:s2+s6], $0x80, s3, s6, $0xb8;
	[tilespmem:$0x2880] =	vst v63  }
0x55: {  	_ =	swait.ge [sflag:s8], $0x2800  }
0x56: {  	[sflag:s8] =	ssyncset.done $0x0  }
0x57: {  	[sflag:s8] =	ssyncadd.s32 $0xFFFFD800  }
0x58: {  	[hbm4b:s13+s3] =	stream.linear.scatter [tilespmem:s7], [sflag:$0x2], $0x2800, $0x38;
	[tilespmem:$0x2880] =	vst v63  }
0x59: {  	_ =	swait.ge [sflag:s4], $0x2800  }
0x5a: {  	[sflag:s4] =	ssyncset.done $0x0  }
0x5b: {  	[sflag:s4] =	ssyncadd.s32 $0xFFFFD800  }
0x5c: {  	[tilespmem:s3], [sflag:$0x2] =	stream.linear.gather [hbm4b:s14+s3], $0x50, $0x38;
	[tilespmem:$0x2880] =	vst v63  }
0x5d: {  	_ =	swait.ge [sflag:s4], $0x50  }
0x5e: {  	[sflag:s4] =	ssyncset.done $0x0  }
0x5f: {  	[sflag:s4] =	ssyncadd.s32 $0xFFFFFFB0  }
0x60: {  	[tilespmem:s7], [sflag:$0x1] =	stream.indirect.gather [hbm4b:s2+s6], $0x80, s3, s6, $0xb8;
	[tilespmem:$0x2880] =	vst v63  }
0x61: {  	_ =	swait.ge [sflag:s8], $0x2800  }
.Ltmp1:
0x62: {  	[sflag:s8] =	ssyncset.done $0x0;
	(pc) =	sbr.rel @p0 .LBB2_1-.Ltmp1, $4  }
0x63: {  	[sflag:s8] =	ssyncadd.s32 $0xFFFFD800  }
0x64: {  	[hbm4b:s15+s3] =	stream.linear.scatter [tilespmem:s7], [sflag:$0x2], $0x2800, $0x38;
	[tilespmem:$0x2880] =	vst v63  }
0x65: {  	_ =	swait.ge [sflag:s4], $0x2800  }
0x66: {  	[sflag:s4] =	ssyncset.done $0x0  }
.LBB2_2:
0x67: {  	[sflag:s4] =	ssyncadd.s32 $0xFFFFD800  }
0x68: {  	_ =	sfence.sel $0x180000  }
0x69: {  	[bflag:$0x0] =	sbarrier.arrive $0xFFFF  }
0x6a: {  	p0 =	sne.s32 s0, $0x0;
	_ =	strace $0x90000047  }
0x6b: {  	s0 =	sadd.s32 @!p0 $0x100000, s1;
	[bflag:$0x2] =	sbarrier.arrive $0xFFFF  }
0x6c: {  	[sflag:s0] =	ssyncadd.tile.s32 @!p0 $0x1;
	_ =	shalt  }
.Lfunc_end2:
_tile_overlayer_lowered:
.L_overlay_start_2:
0x6d: {  	(tag) =	ssettag $0x2  }
0x6e: {  	s0 =	rddreg [dreg:$0x0];
	s2 =	stileid.u32  }
0x6f: {  	s1 =	rddreg [dreg:$0x1];
	p0 =	sne.s32 s2, $0x0  }
0x70: {  	s3 =	rddreg [dreg:$0x2];
	[bflag:$0x3] =	sbarrier.arrive $0xFFFF;
	s2 =	simm.s32 @!p0 $0x1C02  }
0x71: {  	[timem:s3], [sflag:s2] =	dma.local @!p0 [hbm:s0], s1  }
0x72: {  	s0 =	simm.s32 @!p0 $0x2  }
0x73: {  	_ =	swait.ge @!p0 [sflag:s0], s1  }
0x74: {  	s1 =	ssub.s32 @!p0 $0x0, s1;
	[sflag:s0] =	ssyncset.done @!p0 $0x0  }
0x75: {  	[sflag:s0] =	ssyncadd.s32 @!p0 s1  }
0x76: {  	[bflag:$0x3] =	sbarrier.arrive $0xFFFF  }
0x77: {  	_ =	shalt  }

// kernel: kernel.13.cloned.1.call-start
scs
__scs_entry_jumppad:
0x0: {  	(pc) =	sbr.rel $0x88, $3  }
0x1: {  	(tag) =	ssettag $0x0;
	lr =	simm.s32 $0x1  }
0x2: {  	[smem:$0x3F95] =	sst lr;
	_ =	strace $0xD0000000  }
0x3: {  	_ = 	snop  }
0x4: {  	_ = 	snop  }
0x5: {  	_ = 	snop  }
0x6: {  	_ = 	snop  }
0x7: {  	_ = 	snop  }
__scs_overlays_trampoline_lowered:
0x8: {  	[smem:$0x3FA4] =	sst s0  }
0x9: {  	[smem:$0x3FA5] =	sst s1  }
0xa: {  	[smem:$0x3FA6] =	sst s2  }
0xb: {  	[smem:$0x3FA7] =	sst s3  }
0xc: {  	[smem:$0x3FA8] =	sst s4  }
0xd: {  	[smem:$0x3FA9] =	sst s5  }
0xe: {  	[smem:$0x3FAA] =	sst s6  }
0xf: {  	[smem:$0x3FAB] =	sst s7  }
0x10: {  	[smem:$0x3FAC] =	sst s8  }
0x11: {  	[smem:$0x3FAD] =	sst s9;
	s0 =	simm.s32 @!p0 $0x0  }
0x12: {  	s1 =	sld [smem:$0x3F93];
	s0 =	simm.s32 @p0 $0x1  }
0x13: {  	[smem:$0x3FAE] =	sst s0;
	s0 =	simm.s32 @!p1 $0x0  }
0x14: {  	s2 =	sld [smem:$0x3F92];
	s0 =	simm.s32 @p1 $0x1  }
0x15: {  	[smem:$0x3FAF] =	sst s0;
	s0 =	simm.s32 @!p2 $0x0  }
0x16: {  	s3 =	sld [smem:$0x3FDB];
	s0 =	simm.s32 @p2 $0x1  }
0x17: {  	s4 =	simm.s32 $0x1BF5;
	[smem:$0x3FB1] =	sst s0  }
0x18: {  	s0 =	sld [smem:$0x3F94];
	_ =	swait.ge [sflag:s4], $0x0  }
0x19: {  	s7 =	sld [smem:$0x3F95]  }
0x1a: {  	s8 =	sadd.s32 $0xFFFFE003, lr  }
0x1b: {  	s9 =	sadd.s32 $0xFFFFFEF7, lr;
	s5 =	simm.s32 $0xFFFFFFFF;
	p2 =	slt.u32 s8, $0xFFFFF086  }
0x1c: {  	p1 =	slt.u32 s9, $0xF7A;
	s5 =	simm.s32 @!p2 $0x0  }
0x1d: {  	s5 =	simm.s32 @p1 $0x1;
	p0 =	seq.s32 s7, s2  }
0x1e: {  	s7 =	smul.u32 @!p0 $0xF7A, s2;
	p2 =	seq.s32 @!p0 s5, $0x0  }
0x1f: {  	s9 =	smul.u32 $0xF7A, s1;
	s8 =	simm.s32 @!p0 $0x1BF5;
	p2 =	por !p2, p0  }
0x20: {  	[sflag:s8] =	ssyncset.s32 @!p0 $0xFFFFF086;
	s6 =	sadd.s32 @!p0 s3, s7;
	s7 =	simm.s32 @!p0 $0x108  }
0x21: {  	s3 =	sadd.s32 s3, s9;
	s6 =	sadd.s32 @!p0 $0x88, s6;
	s7 =	simm.s32 @p2 $0x1082  }
0x22: {  	[simem:s7], [sflag:s8] =	dma.local @!p0 [hbm:s6], $0xF7A  }
0x23: {  	s9 =	sor.u32 $0xD0000000, s2;
	s6 =	simm.s32 $0x108;
	_ =	swait.ge @!p0 [sflag:s8], $0x0  }
0x24: {  	s3 =	sadd.s32 $0x88, s3;
	s6 =	simm.s32 @!p1 $0x1082;
	[sflag:s4] =	ssyncset.s32 $0xFFFFF086  }
0x25: {  	[simem:s6], [sflag:s4] =	dma.local [hbm:s3], $0xF7A  }
0x26: {  	[smem:$0x3F95] =	sst s1;
	(tag) =	ssettag s2;
	_ =	strace s9  }
0x27: {  	s1 =	sld [smem:$0x3FA5]  }
0x28: {  	s2 =	sld [smem:$0x3FA6]  }
0x29: {  	s4 =	sld [smem:$0x3FA8]  }
0x2a: {  	p0 =	seq.s32 s5, $0x0;
	s5 =	sld [smem:$0x3FA9]  }
0x2b: {  	s6 =	sld [smem:$0x3FAA]  }
0x2c: {  	s7 =	sld [smem:$0x3FAB]  }
0x2d: {  	s3 =	simm.s32 $0x108;
	s8 =	sld [smem:$0x3FAC]  }
0x2e: {  	s3 =	simm.s32 @!p0 $0x1082;
	s9 =	sld [smem:$0x3FAD]  }
0x2f: {  	lr =	sadd.s32 s0, s3;
	s0 =	sld [smem:$0x3FA4]  }
0x30: {  	s3 =	sld [smem:$0x3FA7]  }
0x31: {  	[smem:$0x3FB0] =	sst s10  }
0x32: {  	s10 =	sld [smem:$0x3FAE];
	_ =	sdelay $0x3  }
0x33: {  	p0 =	seq.s32 s10, $0x1;
	s10 =	sld [smem:$0x3FB0];
	_ =	sdelay $0x3  }
0x34: {  	[smem:$0x3FB0] =	sst s10  }
0x35: {  	s10 =	sld [smem:$0x3FAF];
	_ =	sdelay $0x3  }
0x36: {  	p1 =	seq.s32 s10, $0x1;
	s10 =	sld [smem:$0x3FB0];
	_ =	sdelay $0x3  }
0x37: {  	[smem:$0x3FB0] =	sst s10  }
0x38: {  	s10 =	sld [smem:$0x3FB1]  }
0x39: {  	_ = 	snop;
	(pc) =	sbr.ind lr, $3  }
0x3a: {  	_ = 	snop  }
0x3b: {  	_ = 	snop  }
0x3c: {  	p2 =	seq.s32 s10, $0x1;
	s10 =	sld [smem:$0x3FB0]  }
0x3d: {  	_ =	shalt  }
0x3e: {  	_ =	shalt  }
0x3f: {  	_ =	shalt  }
0x40: {  	_ =	shalt  }
0x41: {  	_ =	shalt  }
0x42: {  	_ =	shalt  }
0x43: {  	_ =	shalt  }
0x44: {  	_ =	shalt  }
0x45: {  	_ =	shalt  }
0x46: {  	_ =	shalt  }
0x47: {  	_ =	shalt  }
0x48: {  	_ =	shalt  }
0x49: {  	_ =	shalt  }
0x4a: {  	_ =	shalt  }
0x4b: {  	_ =	shalt  }
0x4c: {  	_ =	shalt  }
0x4d: {  	_ =	shalt  }
0x4e: {  	_ =	shalt  }
0x4f: {  	_ =	shalt  }
0x50: {  	_ =	shalt  }
0x51: {  	_ =	shalt  }
0x52: {  	_ =	shalt  }
0x53: {  	_ =	shalt  }
0x54: {  	_ =	shalt  }
0x55: {  	_ =	shalt  }
0x56: {  	_ =	shalt  }
0x57: {  	_ =	shalt  }
0x58: {  	_ =	shalt  }
0x59: {  	_ =	shalt  }
0x5a: {  	_ =	shalt  }
0x5b: {  	_ =	shalt  }
0x5c: {  	_ =	shalt  }
0x5d: {  	_ =	shalt  }
0x5e: {  	_ =	shalt  }
0x5f: {  	_ =	shalt  }
0x60: {  	_ =	shalt  }
0x61: {  	_ =	shalt  }
0x62: {  	_ =	shalt  }
0x63: {  	_ =	shalt  }
0x64: {  	_ =	shalt  }
0x65: {  	_ =	shalt  }
0x66: {  	_ =	shalt  }
0x67: {  	_ =	shalt  }
0x68: {  	_ =	shalt  }
0x69: {  	_ =	shalt  }
0x6a: {  	_ =	shalt  }
0x6b: {  	_ =	shalt  }
0x6c: {  	_ =	shalt  }
0x6d: {  	_ =	shalt  }
0x6e: {  	_ =	shalt  }
0x6f: {  	_ =	shalt  }
0x70: {  	_ =	shalt  }
0x71: {  	_ =	shalt  }
0x72: {  	_ =	shalt  }
0x73: {  	_ =	shalt  }
0x74: {  	_ =	shalt  }
0x75: {  	_ =	shalt  }
0x76: {  	_ =	shalt  }
0x77: {  	_ =	shalt  }
0x78: {  	_ =	shalt  }
0x79: {  	_ =	shalt  }
0x7a: {  	_ =	shalt  }
0x7b: {  	_ =	shalt  }
0x7c: {  	_ =	shalt  }
0x7d: {  	_ =	shalt  }
0x7e: {  	_ =	shalt  }
0x7f: {  	_ =	shalt  }
0x80: {  	_ =	shalt  }
0x81: {  	_ =	shalt  }
0x82: {  	_ =	shalt  }
0x83: {  	_ =	shalt  }
0x84: {  	_ =	shalt  }
0x85: {  	_ =	shalt  }
0x86: {  	_ =	shalt  }
0x87: {  	_ =	shalt  }
.Lfunc_end0:
.L_simem_size_0:
called_computation.1_lowered:
.L_overlay_start_0:
0x88: {  	s2 =	sld [smem:$0x3FD9]  }
0x89: {  	s3 =	sld [smem:$0x3FFE];
	_ =	sdelay $0x1  }
0x8a: {  	s1 =	srdreg.scid  }
0x8b: {  	s0 =	sand.u32 $0x1, s1  }
0x8c: {  	s16 =	sshll.u32 s0, $0xA;
	s2 =	sadd.s32 s3, s2  }
0x8d: {  	s2 =	sadd.s32 s2, s16  }
0x8e: {  	[smem:$0x3FBC] =	sst s2  }
0x8f: {  	_ = 	snop  }
0x90: {  	(tm) =	ssettm $0x1  }
0x91: {  	s17 =	sld [smem:$0x3FFB];
	_ =	sdelay $0x3  }
0x92: {  	_ =	strace s17  }
0x93: {  	s2 =	sld [smem:$0x3FFC];
	_ =	sdelay $0x3  }
0x94: {  	_ =	strace s2  }
0x95: {  	s2 =	sld [smem:$0x3FFD];
	_ =	sdelay $0x3  }
0x96: {  	_ =	strace s2  }
0x97: {  	_ =	strace $0x8FFFFFFF  }
0x98: {  	s18 =	sld [smem:$0x3FDB];
	_ =	sdelay $0x1  }
0x99: {  	s19 =	simm.s32 $_scs_section_size  }
0x9a: {  	s4 =	simm.s32 $_size__tile_overlayer_lowered;
	s5 =	simm.s32 $_tile_overlayer_lowered  }
0x9b: {  	s22 =	simm.s32 $0x1BFF;
	s21 =	sshll.u32 s5, $0x1;
	s2 =	sadd.s32 s19, s18  }
0x9c: {  	s6 =	simm.s32 $0x0;
	s20 =	sshll.u32 s4, $0x1;
	s4 =	sadd.s32 s21, s2  }
0x9d: {  	[timem:s6], [sflag:s22] =	dma.local [hbm:s4], s20  }
0x9e: {  	_ =	swait.ge [sflag:s22], s20  }
0x9f: {  	s3 =	ssub.s32 $0x0, s20;
	[sflag:s22] =	ssyncset.done $0x0  }
0xa0: {  	[sflag:s22] =	ssyncadd.s32 s3;
	_ =	sdelay $0x1  }
0xa1: {  	s23 =	simm.s32 $0x1B8B  }
0xa2: {  	_ =	swait.ge [sflag:s23], $0x1  }
0xa3: {  	[sflag:s23] =	ssyncset.done $0x0  }
0xa4: {  	s25 =	simm.s32 $0x1B8E;
	s24 =	sld [smem:$0x3FFE];
	[sflag:s23] =	ssyncadd.s32 $0xFFFFFFFF  }
0xa5: {  	s26 =	simm.s32 $execute0_lowered;
	[smem:$0x3FD2] =	sst s25  }
0xa6: {  	s4 =	sshll.u32 s26, $0x1;
	_ =	strace $0x80000049;
	[dreg:$0x1] =	wrdreg $0xFFFFFFFF  }
0xa7: {  	s28 =	simm.s32 $_size_execute0_lowered;
	s2 =	sadd.s32 s2, s4;
	[dreg:$0x0] =	wrdreg $0x0  }
0xa8: {  	s4 =	sshll.u32 s28, $0x1;
	[dreg:$0x2] =	wrdreg s2  }
0xa9: {  	[dreg:$0x3] =	wrdreg s4  }
0xaa: {  	[dreg:$0x4] =	wrdreg $0xC0  }
0xab: {  	_ =	task [dreg:s6], $0x5FFFF  }
0xac: {  	[dreg:$0x1] =	wrdreg $0xFFFFFFFF  }
0xad: {  	[dreg:$0x0] =	wrdreg $0x60  }
0xae: {  	[dreg:$0x2] =	wrdreg s24  }
0xaf: {  	[dreg:$0x3] =	wrdreg $0x81000  }
0xb0: {  	[dreg:$0x4] =	wrdreg $0x9  }
0xb1: {  	_ =	task.clear_ibuf [dreg:s6], $0x5FFFF;
	_ =	strace $0x90000049  }
0xb2: {  	s29 =	simm.s32 $0x9;
	_ =	strace $0x8000004B  }
0xb3: {  	_ =	swait.ge [sflag:s29], $0x1  }
0xb4: {  	[sflag:s29] =	ssyncadd.s32 $0xFFFFFFFF  }
0xb5: {  	_ =	strace $0x9000004B  }
0xb6: {  	_ =	sfence  }
0xb7: {  	s30 =	sld [smem:$0x0];
	_ =	sdelay $0x2  }
0xb8: {  	s31 =	sshll.u32 s1, $0xD;
	s1 =	sshrl.u32 s1, $0x2  }
0xb9: {  	s3 =	sand.u32 $0x4000, s31;
	s1 =	sadd.s32 s1, s30  }
0xba: {  	s0 =	sor.u32 s3, s0;
	s1 =	sshll.u32 s1, $0x11  }
0xbb: {  	s0 =	sor.u32 s1, s0  }
0xbc: {  	s0 =	sadd.s32 $0x8F2B, s0  }
0xbd: {  	[sflag:s0] =	ssyncadd.remote.s32 $0x1  }
0xbe: {  	_ =	sfence.sel $0xFFFF  }
0xbf: {  	[dreg:$0x0] =	wrdreg $0xFFFFFFFF;
	(pc) =	sbr.abs _section_cstart, $3  }
0xc0: {  	[dreg:$0x1] =	wrdreg $0xFFFFFFFF  }
0xc1: {  	_ =	task.clear_ibuf [dreg:s6], $0x2FFFF;
	_ =	strace $0x9FFFFFFF  }
0xc2: {  	(tm) =	ssettm $0x7FFFFFFF  }
0xc3: {  	_ =	shalt  }
tec
execute0_lowered:
.L_overlay_start_1:
0x0: {  	(tag) =	ssettag $0x1  }
0x1: {  	s6 =	rddreg [dreg:$0x0];
	s0 =	stileid.u32  }
0x2: {  	s1 =	srdreg.scid;
	s2 =	rddreg [dreg:$0x1]  }
0x3: {  	s3 =	simm.s32 $0x0;
	s15 =	simm.s32 $0x4100;
	s16 =	simm.s32 $0x2  }
0x4: {  	s17 =	simm.s32 $0x80;
	s18 =	simm.s32 $0x100;
	s4 =	smul.u32 $0xA00, s0  }
0x5: {  	s19 =	simm.s32 $0x1;
	s22 =	simm.s32 $0x0;
	s8 =	smul.u32 $0x14000, s0  }
0x6: {  	s7 =	sand.u32 $0x1, s1;
	s1 =	rddreg [dreg:$0x2];
	s9 =	smul.u32 $0x50000, s0  }
0x7: {  	[smem:$0x7FF] =	sst s3;
	s20 =	sshll.u32 s0, $0x6;
	s5 =	smul.u32 $0x140000, s7  }
0x8: {  	_ =	strace $0x8000004A;
	s10 =	ssub.s32 $0x2, s7;
	s13 =	smul.u32 $0x500, s7  }
0x9: {  	s20 =	sor.u32 $0x1C02, s20;
	s12 =	sadd.s32 s4, s6;
	s4 =	sadd.s32 $0x3800, s6  }
0xa: {  	s31 =	sshrl.u32 s10, $0x1;
	s9 =	sshrl.u32 s9, $0x2;
	s8 =	sadd.s32 s8, s5  }
0xb: {  	s5 =	sadd.s32 $0x3F800, s6;
	s14 =	sadd.s32 s13, s12;
	s8 =	sshrl.u32 s8, $0x3  }
0xc: {  	s10 =	ssub.s32 s10, s31;
	s13 =	sadd.s32 $0x35800, s14;
	s8 =	sadd.s32 s8, s6  }
0xd: {  	s14 =	sadd.s32 $0x2B800, s14;
	s6 =	sadd.s32 s9, s2;
	s7 =	sadd.s32 $0x40000, s8  }
0xe: {  	s8 =	smax.u32 s10, $0x1;
	s9 =	sadd.s32 $0x4000, s6;
	s10 =	sadd.s32 $0x8000, s6  }
0xf: {  	s11 =	sadd.s32 $0xC000, s6;
	s12 =	sadd.s32 $0x10000, s6;
	s21 =	sshrl.u32 s6, $0x3  }
.LBB2_1:
0x10: {  	[tilespmem:s15], [sflag:$0x2] =	stream.linear.gather [hbm4b:s5+s3], $0x4000, $0x38;
	[tilespmem:$0x1C100] =	vst v63  }
0x11: {  	_ =	swait.ge [sflag:s16], $0x4000  }
0x12: {  	[sflag:s16] =	ssyncset.done $0x0  }
0x13: {  	[sflag:s16] =	ssyncadd.s32 $0xFFFFC000  }
0x14: {  	[spmem:s6] =	stream.linear.scatter [tilespmem:s15], [sflag:$0x2], $0x4000, $0x38;
	[tilespmem:$0x1C100] =	vst v63  }
0x15: {  	_ =	swait.ge [sflag:s16], $0x4000  }
0x16: {  	[sflag:s16] =	ssyncset.done $0x0  }
0x17: {  	[sflag:s16] =	ssyncadd.s32 $0xFFFFC000  }
0x18: {  	[spmem:s9] =	stream.linear.scatter [tilespmem:s15], [sflag:$0x2], $0x4000, $0x38;
	[tilespmem:$0x1C100] =	vst v63  }
0x19: {  	_ =	swait.ge [sflag:s16], $0x4000  }
0x1a: {  	[sflag:s16] =	ssyncset.done $0x0  }
0x1b: {  	[sflag:s16] =	ssyncadd.s32 $0xFFFFC000  }
0x1c: {  	[spmem:s10] =	stream.linear.scatter [tilespmem:s15], [sflag:$0x2], $0x4000, $0x38;
	[tilespmem:$0x1C100] =	vst v63  }
0x1d: {  	_ =	swait.ge [sflag:s16], $0x4000  }
0x1e: {  	[sflag:s16] =	ssyncset.done $0x0  }
0x1f: {  	[sflag:s16] =	ssyncadd.s32 $0xFFFFC000  }
0x20: {  	[spmem:s11] =	stream.linear.scatter [tilespmem:s15], [sflag:$0x2], $0x4000, $0x38;
	[tilespmem:$0x1C100] =	vst v63  }
0x21: {  	_ =	swait.ge [sflag:s16], $0x4000  }
0x22: {  	[sflag:s16] =	ssyncset.done $0x0  }
0x23: {  	[sflag:s16] =	ssyncadd.s32 $0xFFFFC000  }
0x24: {  	[spmem:s12] =	stream.linear.scatter [tilespmem:s15], [sflag:$0x2], $0x4000, $0x38;
	[tilespmem:$0x1C100] =	vst v63  }
0x25: {  	_ =	swait.ge [sflag:s16], $0x4000  }
0x26: {  	[sflag:s16] =	ssyncset.done $0x0  }
0x27: {  	[sflag:s16] =	ssyncadd.s32 $0xFFFFC000  }
0x28: {  	s23 =	sadd.s32 $0x0, s14;
	[bflag:$0x0] =	sbarrier.arrive $0xFFFF  }
0x29: {  	[tilespmem:s3], [sflag:$0x2] =	stream.linear.gather [hbm4b:s23+s3], $0x80, $0x38;
	[tilespmem:$0x1C100] =	vst v63  }
0x2a: {  	_ =	swait.ge [sflag:s16], $0x80  }
0x2b: {  	[sflag:s16] =	ssyncset.done $0x0  }
0x2c: {  	s31 =	sadd.s32 $0x0, s13;
	[sflag:s16] =	ssyncadd.s32 $0xFFFFFF80  }
0x2d: {  	[tilespmem:s17], [sflag:$0x2] =	stream.linear.gather [hbm4b:s31+s3], $0x80, $0x38;
	[tilespmem:$0x1C100] =	vst v63  }
0x2e: {  	_ =	swait.ge [sflag:s16], $0x80  }
0x2f: {  	[sflag:s16] =	ssyncset.done $0x0  }
0x30: {  	[sflag:s16] =	ssyncadd.s32 $0xFFFFFF80  }
0x31: {  	[tilespmem:s18], [sflag:$0x1] =	stream.indirect.gather [hbm4b:s4+s17], $0x80, s3, s17, $0xb8;
	[tilespmem:$0x1C100] =	vst v63  }
0x32: {  	_ =	swait.ge [sflag:s19], $0x4000  }
0x33: {  	[sflag:s19] =	ssyncset.done $0x0  }
0x34: {  	[sflag:s19] =	ssyncadd.s32 $0xFFFFC000  }
0x35: {  	[spmem:s2] =	stream.indirect.scatter.add.f32 [tilespmem:s18], [sflag:$0x2], $0x80, s17, s17, $0xb8;
	[tilespmem:$0x1C100] =	vst v63  }
0x36: {  	_ =	swait.ge [sflag:s16], $0x4000  }
0x37: {  	s24 =	simm.s32 $0x20;
	s23 =	simm.s32 $0x10;
	[sflag:s16] =	ssyncset.done $0x0  }
.LBB2_2:
0x38: {  	s25 =	sadd.s32 s23, s14  }
0x39: {  	[sflag:s16] =	ssyncadd.s32 $0xFFFFC000;
	s26 =	smov.u32 s24;
	s28 =	sadd.s32 $0x10, s24  }
0x3a: {  	[tilespmem:s3], [sflag:$0x2] =	stream.linear.gather [hbm4b:s25+s3], $0x80, $0x38;
	[tilespmem:$0x1C100] =	vst v63  }
0x3b: {  	p0 =	sne.s32 s24, $0x4F0;
	_ =	swait.ge [sflag:s16], $0x80  }
0x3c: {  	[sflag:s16] =	ssyncset.done $0x0  }
0x3d: {  	s24 =	sadd.s32 s23, s13;
	s23 =	smov.u32 s26;
	[sflag:s16] =	ssyncadd.s32 $0xFFFFFF80  }
0x3e: {  	[tilespmem:s17], [sflag:$0x2] =	stream.linear.gather [hbm4b:s24+s3], $0x80, $0x38;
	[tilespmem:$0x1C100] =	vst v63  }
0x3f: {  	_ =	swait.ge [sflag:s16], $0x80  }
0x40: {  	[sflag:s16] =	ssyncset.done $0x0  }
0x41: {  	[sflag:s16] =	ssyncadd.s32 $0xFFFFFF80  }
0x42: {  	[tilespmem:s18], [sflag:$0x1] =	stream.indirect.gather [hbm4b:s4+s17], $0x80, s3, s17, $0xb8;
	[tilespmem:$0x1C100] =	vst v63  }
0x43: {  	_ =	swait.ge [sflag:s19], $0x4000  }
.Ltmp0:
0x44: {  	[sflag:s19] =	ssyncset.done $0x0;
	(pc) =	sbr.rel @p0 .LBB2_2-.Ltmp0, $4  }
0x45: {  	[sflag:s19] =	ssyncadd.s32 $0xFFFFC000  }
0x46: {  	[spmem:s2] =	stream.indirect.scatter.add.f32 [tilespmem:s18], [sflag:$0x2], $0x80, s17, s17, $0xb8;
	[tilespmem:$0x1C100] =	vst v63  }
0x47: {  	_ =	swait.ge [sflag:s16], $0x4000  }
0x48: {  	s24 =	smov.u32 s28;
	[sflag:s16] =	ssyncset.done $0x0  }
0x49: {  	s24 =	sadd.s32 s23, s14;
	[sflag:s16] =	ssyncadd.s32 $0xFFFFC000  }
0x4a: {  	[tilespmem:s3], [sflag:$0x2] =	stream.linear.gather [hbm4b:s24+s3], $0x80, $0x38;
	[tilespmem:$0x1C100] =	vst v63  }
0x4b: {  	_ =	swait.ge [sflag:s16], $0x80  }
0x4c: {  	[sflag:s16] =	ssyncset.done $0x0  }
0x4d: {  	s31 =	sadd.s32 s23, s13;
	[sflag:s16] =	ssyncadd.s32 $0xFFFFFF80  }
0x4e: {  	[tilespmem:s17], [sflag:$0x2] =	stream.linear.gather [hbm4b:s31+s3], $0x80, $0x38;
	[tilespmem:$0x1C100] =	vst v63  }
0x4f: {  	_ =	swait.ge [sflag:s16], $0x80  }
0x50: {  	[sflag:s16] =	ssyncset.done $0x0  }
0x51: {  	[sflag:s16] =	ssyncadd.s32 $0xFFFFFF80  }
0x52: {  	[tilespmem:s18], [sflag:$0x1] =	stream.indirect.gather [hbm4b:s4+s17], $0x80, s3, s17, $0xb8;
	[tilespmem:$0x1C100] =	vst v63  }
0x53: {  	_ =	swait.ge [sflag:s19], $0x4000  }
0x54: {  	[sflag:s19] =	ssyncset.done $0x0  }
0x55: {  	[sflag:s19] =	ssyncadd.s32 $0xFFFFC000  }
0x56: {  	[spmem:s2] =	stream.indirect.scatter.add.f32 [tilespmem:s18], [sflag:$0x2], $0x80, s17, s17, $0xb8;
	[tilespmem:$0x1C100] =	vst v63  }
0x57: {  	_ =	swait.ge [sflag:s16], $0x4000  }
0x58: {  	s22 =	sadd.s32 $0x1, s22;
	[sflag:s16] =	ssyncset.done $0x0  }
0x59: {  	p0 =	sne.s32 s22, s8;
	[sflag:s16] =	ssyncadd.s32 $0xFFFFC000  }
.Ltmp1:
0x5a: {  	[bflag:$0x0] =	sbarrier.arrive $0xFFFF;
	(pc) =	sbr.rel @p0 .LBB2_1-.Ltmp1, $4  }
0x5b: {  	[hbm:s7], [sflag:s20] =	dma.local [spmem:s21], $0x2800  }
0x5c: {  	_ =	swait.ge [sflag:s16], $0x2800  }
0x5d: {  	[sflag:s16] =	ssyncset.done $0x0  }
0x5e: {  	[sflag:s16] =	ssyncadd.s32 $0xFFFFD800  }
0x5f: {  	_ =	sfence.sel $0x180000  }
0x60: {  	[bflag:$0x0] =	sbarrier.arrive $0xFFFF  }
0x61: {  	p0 =	sne.s32 s0, $0x0;
	_ =	strace $0x9000004A  }
0x62: {  	s0 =	sadd.s32 @!p0 $0x100000, s1;
	[bflag:$0x2] =	sbarrier.arrive $0xFFFF  }
0x63: {  	[sflag:s0] =	ssyncadd.tile.s32 @!p0 $0x1;
	_ =	shalt  }
.Lfunc_end2:
_tile_overlayer_lowered:
.L_overlay_start_2:
0x64: {  	(tag) =	ssettag $0x2  }
0x65: {  	s0 =	rddreg [dreg:$0x0];
	s2 =	stileid.u32  }
0x66: {  	s1 =	rddreg [dreg:$0x1];
	p0 =	sne.s32 s2, $0x0  }
0x67: {  	s3 =	rddreg [dreg:$0x2];
	[bflag:$0x3] =	sbarrier.arrive $0xFFFF;
	s2 =	simm.s32 @!p0 $0x1C02  }
0x68: {  	[timem:s3], [sflag:s2] =	dma.local @!p0 [hbm:s0], s1  }
0x69: {  	s0 =	simm.s32 @!p0 $0x2  }
0x6a: {  	_ =	swait.ge @!p0 [sflag:s0], s1  }
0x6b: {  	s1 =	ssub.s32 @!p0 $0x0, s1;
	[sflag:s0] =	ssyncset.done @!p0 $0x0  }
0x6c: {  	[sflag:s0] =	ssyncadd.s32 @!p0 s1  }
0x6d: {  	[bflag:$0x3] =	sbarrier.arrive $0xFFFF  }
0x6e: {  	_ =	shalt  }

// kernel: kernel.16.cloned.1.call-start
scs
__scs_entry_jumppad:
0x0: {  	(pc) =	sbr.rel $0x88, $3  }
0x1: {  	(tag) =	ssettag $0x0;
	lr =	simm.s32 $0x1  }
0x2: {  	[smem:$0x3F95] =	sst lr;
	_ =	strace $0xD0000000  }
0x3: {  	_ = 	snop  }
0x4: {  	_ = 	snop  }
0x5: {  	_ = 	snop  }
0x6: {  	_ = 	snop  }
0x7: {  	_ = 	snop  }
__scs_overlays_trampoline_lowered:
0x8: {  	[smem:$0x3FA4] =	sst s0  }
0x9: {  	[smem:$0x3FA5] =	sst s1  }
0xa: {  	[smem:$0x3FA6] =	sst s2  }
0xb: {  	[smem:$0x3FA7] =	sst s3  }
0xc: {  	[smem:$0x3FA8] =	sst s4  }
0xd: {  	[smem:$0x3FA9] =	sst s5  }
0xe: {  	[smem:$0x3FAA] =	sst s6  }
0xf: {  	[smem:$0x3FAB] =	sst s7  }
0x10: {  	[smem:$0x3FAC] =	sst s8  }
0x11: {  	[smem:$0x3FAD] =	sst s9;
	s0 =	simm.s32 @!p0 $0x0  }
0x12: {  	s1 =	sld [smem:$0x3F93];
	s0 =	simm.s32 @p0 $0x1  }
0x13: {  	[smem:$0x3FAE] =	sst s0;
	s0 =	simm.s32 @!p1 $0x0  }
0x14: {  	s2 =	sld [smem:$0x3F92];
	s0 =	simm.s32 @p1 $0x1  }
0x15: {  	[smem:$0x3FAF] =	sst s0;
	s0 =	simm.s32 @!p2 $0x0  }
0x16: {  	s3 =	sld [smem:$0x3FDB];
	s0 =	simm.s32 @p2 $0x1  }
0x17: {  	s4 =	simm.s32 $0x1BF5;
	[smem:$0x3FB1] =	sst s0  }
0x18: {  	s0 =	sld [smem:$0x3F94];
	_ =	swait.ge [sflag:s4], $0x0  }
0x19: {  	s7 =	sld [smem:$0x3F95]  }
0x1a: {  	s8 =	sadd.s32 $0xFFFFE003, lr  }
0x1b: {  	s9 =	sadd.s32 $0xFFFFFEF7, lr;
	s5 =	simm.s32 $0xFFFFFFFF;
	p2 =	slt.u32 s8, $0xFFFFF086  }
0x1c: {  	p1 =	slt.u32 s9, $0xF7A;
	s5 =	simm.s32 @!p2 $0x0  }
0x1d: {  	s5 =	simm.s32 @p1 $0x1;
	p0 =	seq.s32 s7, s2  }
0x1e: {  	s7 =	smul.u32 @!p0 $0xF7A, s2;
	p2 =	seq.s32 @!p0 s5, $0x0  }
0x1f: {  	s9 =	smul.u32 $0xF7A, s1;
	s8 =	simm.s32 @!p0 $0x1BF5;
	p2 =	por !p2, p0  }
0x20: {  	[sflag:s8] =	ssyncset.s32 @!p0 $0xFFFFF086;
	s6 =	sadd.s32 @!p0 s3, s7;
	s7 =	simm.s32 @!p0 $0x108  }
0x21: {  	s3 =	sadd.s32 s3, s9;
	s6 =	sadd.s32 @!p0 $0x88, s6;
	s7 =	simm.s32 @p2 $0x1082  }
0x22: {  	[simem:s7], [sflag:s8] =	dma.local @!p0 [hbm:s6], $0xF7A  }
0x23: {  	s9 =	sor.u32 $0xD0000000, s2;
	s6 =	simm.s32 $0x108;
	_ =	swait.ge @!p0 [sflag:s8], $0x0  }
0x24: {  	s3 =	sadd.s32 $0x88, s3;
	s6 =	simm.s32 @!p1 $0x1082;
	[sflag:s4] =	ssyncset.s32 $0xFFFFF086  }
0x25: {  	[simem:s6], [sflag:s4] =	dma.local [hbm:s3], $0xF7A  }
0x26: {  	[smem:$0x3F95] =	sst s1;
	(tag) =	ssettag s2;
	_ =	strace s9  }
0x27: {  	s1 =	sld [smem:$0x3FA5]  }
0x28: {  	s2 =	sld [smem:$0x3FA6]  }
0x29: {  	s4 =	sld [smem:$0x3FA8]  }
0x2a: {  	p0 =	seq.s32 s5, $0x0;
	s5 =	sld [smem:$0x3FA9]  }
0x2b: {  	s6 =	sld [smem:$0x3FAA]  }
0x2c: {  	s7 =	sld [smem:$0x3FAB]  }
0x2d: {  	s3 =	simm.s32 $0x108;
	s8 =	sld [smem:$0x3FAC]  }
0x2e: {  	s3 =	simm.s32 @!p0 $0x1082;
	s9 =	sld [smem:$0x3FAD]  }
0x2f: {  	lr =	sadd.s32 s0, s3;
	s0 =	sld [smem:$0x3FA4]  }
0x30: {  	s3 =	sld [smem:$0x3FA7]  }
0x31: {  	[smem:$0x3FB0] =	sst s10  }
0x32: {  	s10 =	sld [smem:$0x3FAE];
	_ =	sdelay $0x3  }
0x33: {  	p0 =	seq.s32 s10, $0x1;
	s10 =	sld [smem:$0x3FB0];
	_ =	sdelay $0x3  }
0x34: {  	[smem:$0x3FB0] =	sst s10  }
0x35: {  	s10 =	sld [smem:$0x3FAF];
	_ =	sdelay $0x3  }
0x36: {  	p1 =	seq.s32 s10, $0x1;
	s10 =	sld [smem:$0x3FB0];
	_ =	sdelay $0x3  }
0x37: {  	[smem:$0x3FB0] =	sst s10  }
0x38: {  	s10 =	sld [smem:$0x3FB1]  }
0x39: {  	_ = 	snop;
	(pc) =	sbr.ind lr, $3  }
0x3a: {  	_ = 	snop  }
0x3b: {  	_ = 	snop  }
0x3c: {  	p2 =	seq.s32 s10, $0x1;
	s10 =	sld [smem:$0x3FB0]  }
0x3d: {  	_ =	shalt  }
0x3e: {  	_ =	shalt  }
0x3f: {  	_ =	shalt  }
0x40: {  	_ =	shalt  }
0x41: {  	_ =	shalt  }
0x42: {  	_ =	shalt  }
0x43: {  	_ =	shalt  }
0x44: {  	_ =	shalt  }
0x45: {  	_ =	shalt  }
0x46: {  	_ =	shalt  }
0x47: {  	_ =	shalt  }
0x48: {  	_ =	shalt  }
0x49: {  	_ =	shalt  }
0x4a: {  	_ =	shalt  }
0x4b: {  	_ =	shalt  }
0x4c: {  	_ =	shalt  }
0x4d: {  	_ =	shalt  }
0x4e: {  	_ =	shalt  }
0x4f: {  	_ =	shalt  }
0x50: {  	_ =	shalt  }
0x51: {  	_ =	shalt  }
0x52: {  	_ =	shalt  }
0x53: {  	_ =	shalt  }
0x54: {  	_ =	shalt  }
0x55: {  	_ =	shalt  }
0x56: {  	_ =	shalt  }
0x57: {  	_ =	shalt  }
0x58: {  	_ =	shalt  }
0x59: {  	_ =	shalt  }
0x5a: {  	_ =	shalt  }
0x5b: {  	_ =	shalt  }
0x5c: {  	_ =	shalt  }
0x5d: {  	_ =	shalt  }
0x5e: {  	_ =	shalt  }
0x5f: {  	_ =	shalt  }
0x60: {  	_ =	shalt  }
0x61: {  	_ =	shalt  }
0x62: {  	_ =	shalt  }
0x63: {  	_ =	shalt  }
0x64: {  	_ =	shalt  }
0x65: {  	_ =	shalt  }
0x66: {  	_ =	shalt  }
0x67: {  	_ =	shalt  }
0x68: {  	_ =	shalt  }
0x69: {  	_ =	shalt  }
0x6a: {  	_ =	shalt  }
0x6b: {  	_ =	shalt  }
0x6c: {  	_ =	shalt  }
0x6d: {  	_ =	shalt  }
0x6e: {  	_ =	shalt  }
0x6f: {  	_ =	shalt  }
0x70: {  	_ =	shalt  }
0x71: {  	_ =	shalt  }
0x72: {  	_ =	shalt  }
0x73: {  	_ =	shalt  }
0x74: {  	_ =	shalt  }
0x75: {  	_ =	shalt  }
0x76: {  	_ =	shalt  }
0x77: {  	_ =	shalt  }
0x78: {  	_ =	shalt  }
0x79: {  	_ =	shalt  }
0x7a: {  	_ =	shalt  }
0x7b: {  	_ =	shalt  }
0x7c: {  	_ =	shalt  }
0x7d: {  	_ =	shalt  }
0x7e: {  	_ =	shalt  }
0x7f: {  	_ =	shalt  }
0x80: {  	_ =	shalt  }
0x81: {  	_ =	shalt  }
0x82: {  	_ =	shalt  }
0x83: {  	_ =	shalt  }
0x84: {  	_ =	shalt  }
0x85: {  	_ =	shalt  }
0x86: {  	_ =	shalt  }
0x87: {  	_ =	shalt  }
.Lfunc_end0:
.L_simem_size_0:
called_computation.2_lowered:
.L_overlay_start_0:
0x88: {  	s2 =	sld [smem:$0x3FD9]  }
0x89: {  	s3 =	sld [smem:$0x3FFE];
	_ =	sdelay $0x1  }
0x8a: {  	s1 =	srdreg.scid  }
0x8b: {  	s0 =	sand.u32 $0x1, s1  }
0x8c: {  	s16 =	sshll.u32 s0, $0xA;
	s2 =	sadd.s32 s3, s2  }
0x8d: {  	s2 =	sadd.s32 s2, s16  }
0x8e: {  	[smem:$0x3FBC] =	sst s2  }
0x8f: {  	_ = 	snop  }
0x90: {  	(tm) =	ssettm $0x1  }
0x91: {  	s17 =	sld [smem:$0x3FFB];
	_ =	sdelay $0x3  }
0x92: {  	_ =	strace s17  }
0x93: {  	s2 =	sld [smem:$0x3FFC];
	_ =	sdelay $0x3  }
0x94: {  	_ =	strace s2  }
0x95: {  	s2 =	sld [smem:$0x3FFD];
	_ =	sdelay $0x3  }
0x96: {  	_ =	strace s2  }
0x97: {  	_ =	strace $0x8FFFFFFF  }
0x98: {  	s18 =	sld [smem:$0x3FDB];
	_ =	sdelay $0x1  }
0x99: {  	s19 =	simm.s32 $_scs_section_size  }
0x9a: {  	s4 =	simm.s32 $_size__tile_overlayer_lowered;
	s5 =	simm.s32 $_tile_overlayer_lowered  }
0x9b: {  	s22 =	simm.s32 $0x1BFF;
	s21 =	sshll.u32 s5, $0x1;
	s2 =	sadd.s32 s19, s18  }
0x9c: {  	s6 =	simm.s32 $0x0;
	s20 =	sshll.u32 s4, $0x1;
	s4 =	sadd.s32 s21, s2  }
0x9d: {  	[timem:s6], [sflag:s22] =	dma.local [hbm:s4], s20  }
0x9e: {  	_ =	swait.ge [sflag:s22], s20  }
0x9f: {  	s3 =	ssub.s32 $0x0, s20;
	[sflag:s22] =	ssyncset.done $0x0  }
0xa0: {  	[sflag:s22] =	ssyncadd.s32 s3;
	_ =	sdelay $0x1  }
0xa1: {  	s23 =	simm.s32 $0x1B8B  }
0xa2: {  	_ =	swait.ge [sflag:s23], $0x1  }
0xa3: {  	[sflag:s23] =	ssyncset.done $0x0  }
0xa4: {  	s25 =	simm.s32 $0x1B8E;
	s24 =	sld [smem:$0x3FFE];
	[sflag:s23] =	ssyncadd.s32 $0xFFFFFFFF  }
0xa5: {  	s26 =	simm.s32 $execute0_lowered;
	[smem:$0x3FD2] =	sst s25  }
0xa6: {  	s4 =	sshll.u32 s26, $0x1;
	_ =	strace $0x8000004C;
	[dreg:$0x1] =	wrdreg $0xFFFFFFFF  }
0xa7: {  	s28 =	simm.s32 $_size_execute0_lowered;
	s2 =	sadd.s32 s2, s4;
	[dreg:$0x0] =	wrdreg $0x0  }
0xa8: {  	s4 =	sshll.u32 s28, $0x1;
	[dreg:$0x2] =	wrdreg s2  }
0xa9: {  	[dreg:$0x3] =	wrdreg s4  }
0xaa: {  	[dreg:$0x4] =	wrdreg $0xC0  }
0xab: {  	_ =	task [dreg:s6], $0x5FFFF  }
0xac: {  	[dreg:$0x1] =	wrdreg $0xFFFFFFFF  }
0xad: {  	[dreg:$0x0] =	wrdreg $0x60  }
0xae: {  	[dreg:$0x2] =	wrdreg s24  }
0xaf: {  	[dreg:$0x3] =	wrdreg $0x81000  }
0xb0: {  	[dreg:$0x4] =	wrdreg $0x9  }
0xb1: {  	_ =	task.clear_ibuf [dreg:s6], $0x5FFFF;
	_ =	strace $0x9000004C  }
0xb2: {  	s29 =	simm.s32 $0x9;
	_ =	strace $0x8000004E  }
0xb3: {  	_ =	swait.ge [sflag:s29], $0x1  }
0xb4: {  	[sflag:s29] =	ssyncadd.s32 $0xFFFFFFFF  }
0xb5: {  	_ =	strace $0x9000004E  }
0xb6: {  	_ =	sfence  }
0xb7: {  	s30 =	sld [smem:$0x0];
	_ =	sdelay $0x2  }
0xb8: {  	s31 =	sshll.u32 s1, $0xD;
	s1 =	sshrl.u32 s1, $0x2  }
0xb9: {  	s3 =	sand.u32 $0x4000, s31;
	s1 =	sadd.s32 s1, s30  }
0xba: {  	s0 =	sor.u32 s3, s0;
	s1 =	sshll.u32 s1, $0x11  }
0xbb: {  	s0 =	sor.u32 s1, s0  }
0xbc: {  	s0 =	sadd.s32 $0x8F2B, s0  }
0xbd: {  	[sflag:s0] =	ssyncadd.remote.s32 $0x1  }
0xbe: {  	_ =	sfence.sel $0xFFFF  }
0xbf: {  	[dreg:$0x0] =	wrdreg $0xFFFFFFFF;
	(pc) =	sbr.abs _section_cstart, $3  }
0xc0: {  	[dreg:$0x1] =	wrdreg $0xFFFFFFFF  }
0xc1: {  	_ =	task.clear_ibuf [dreg:s6], $0x2FFFF;
	_ =	strace $0x9FFFFFFF  }
0xc2: {  	(tm) =	ssettm $0x7FFFFFFF  }
0xc3: {  	_ =	shalt  }
tec
execute0_lowered:
.L_overlay_start_1:
0x0: {  	(tag) =	ssettag $0x1  }
0x1: {  	s6 =	rddreg [dreg:$0x0];
	s0 =	stileid.u32  }
0x2: {  	s1 =	srdreg.scid;
	s2 =	rddreg [dreg:$0x1]  }
0x3: {  	s3 =	simm.s32 $0x0;
	s15 =	simm.s32 $0x4100;
	s16 =	simm.s32 $0x2  }
0x4: {  	s17 =	simm.s32 $0x80;
	s18 =	simm.s32 $0x100;
	s4 =	smul.u32 $0xA00, s0  }
0x5: {  	s19 =	simm.s32 $0x1;
	s22 =	simm.s32 $0x0;
	s8 =	smul.u32 $0x14000, s0  }
0x6: {  	s7 =	sand.u32 $0x1, s1;
	s1 =	rddreg [dreg:$0x2];
	s9 =	smul.u32 $0x50000, s0  }
0x7: {  	[smem:$0x7FF] =	sst s3;
	s20 =	sshll.u32 s0, $0x6;
	s5 =	smul.u32 $0x140000, s7  }
0x8: {  	_ =	strace $0x8000004D;
	s10 =	ssub.s32 $0x2, s7;
	s13 =	smul.u32 $0x500, s7  }
0x9: {  	s20 =	sor.u32 $0x1C02, s20;
	s12 =	sadd.s32 s4, s6;
	s4 =	sadd.s32 $0x3200, s6  }
0xa: {  	s31 =	sshrl.u32 s10, $0x1;
	s9 =	sshrl.u32 s9, $0x2;
	s8 =	sadd.s32 s8, s5  }
0xb: {  	s5 =	sadd.s32 $0x3F800, s6;
	s14 =	sadd.s32 s13, s12;
	s8 =	sshrl.u32 s8, $0x3  }
0xc: {  	s10 =	ssub.s32 s10, s31;
	s13 =	sadd.s32 $0x35800, s14;
	s8 =	sadd.s32 s8, s6  }
0xd: {  	s14 =	sadd.s32 $0x2B800, s14;
	s6 =	sadd.s32 s9, s2;
	s7 =	sadd.s32 $0x40000, s8  }
0xe: {  	s8 =	smax.u32 s10, $0x1;
	s9 =	sadd.s32 $0x4000, s6;
	s10 =	sadd.s32 $0x8000, s6  }
0xf: {  	s11 =	sadd.s32 $0xC000, s6;
	s12 =	sadd.s32 $0x10000, s6;
	s21 =	sshrl.u32 s6, $0x3  }
.LBB2_1:
0x10: {  	[tilespmem:s15], [sflag:$0x2] =	stream.linear.gather [hbm4b:s5+s3], $0x4000, $0x38;
	[tilespmem:$0x1C100] =	vst v63  }
0x11: {  	_ =	swait.ge [sflag:s16], $0x4000  }
0x12: {  	[sflag:s16] =	ssyncset.done $0x0  }
0x13: {  	[sflag:s16] =	ssyncadd.s32 $0xFFFFC000  }
0x14: {  	[spmem:s6] =	stream.linear.scatter [tilespmem:s15], [sflag:$0x2], $0x4000, $0x38;
	[tilespmem:$0x1C100] =	vst v63  }
0x15: {  	_ =	swait.ge [sflag:s16], $0x4000  }
0x16: {  	[sflag:s16] =	ssyncset.done $0x0  }
0x17: {  	[sflag:s16] =	ssyncadd.s32 $0xFFFFC000  }
0x18: {  	[spmem:s9] =	stream.linear.scatter [tilespmem:s15], [sflag:$0x2], $0x4000, $0x38;
	[tilespmem:$0x1C100] =	vst v63  }
0x19: {  	_ =	swait.ge [sflag:s16], $0x4000  }
0x1a: {  	[sflag:s16] =	ssyncset.done $0x0  }
0x1b: {  	[sflag:s16] =	ssyncadd.s32 $0xFFFFC000  }
0x1c: {  	[spmem:s10] =	stream.linear.scatter [tilespmem:s15], [sflag:$0x2], $0x4000, $0x38;
	[tilespmem:$0x1C100] =	vst v63  }
0x1d: {  	_ =	swait.ge [sflag:s16], $0x4000  }
0x1e: {  	[sflag:s16] =	ssyncset.done $0x0  }
0x1f: {  	[sflag:s16] =	ssyncadd.s32 $0xFFFFC000  }
0x20: {  	[spmem:s11] =	stream.linear.scatter [tilespmem:s15], [sflag:$0x2], $0x4000, $0x38;
	[tilespmem:$0x1C100] =	vst v63  }
0x21: {  	_ =	swait.ge [sflag:s16], $0x4000  }
0x22: {  	[sflag:s16] =	ssyncset.done $0x0  }
0x23: {  	[sflag:s16] =	ssyncadd.s32 $0xFFFFC000  }
0x24: {  	[spmem:s12] =	stream.linear.scatter [tilespmem:s15], [sflag:$0x2], $0x4000, $0x38;
	[tilespmem:$0x1C100] =	vst v63  }
0x25: {  	_ =	swait.ge [sflag:s16], $0x4000  }
0x26: {  	[sflag:s16] =	ssyncset.done $0x0  }
0x27: {  	[sflag:s16] =	ssyncadd.s32 $0xFFFFC000  }
0x28: {  	s23 =	sadd.s32 $0x0, s14;
	[bflag:$0x0] =	sbarrier.arrive $0xFFFF  }
0x29: {  	[tilespmem:s3], [sflag:$0x2] =	stream.linear.gather [hbm4b:s23+s3], $0x80, $0x38;
	[tilespmem:$0x1C100] =	vst v63  }
0x2a: {  	_ =	swait.ge [sflag:s16], $0x80  }
0x2b: {  	[sflag:s16] =	ssyncset.done $0x0  }
0x2c: {  	s31 =	sadd.s32 $0x0, s13;
	[sflag:s16] =	ssyncadd.s32 $0xFFFFFF80  }
0x2d: {  	[tilespmem:s17], [sflag:$0x2] =	stream.linear.gather [hbm4b:s31+s3], $0x80, $0x38;
	[tilespmem:$0x1C100] =	vst v63  }
0x2e: {  	_ =	swait.ge [sflag:s16], $0x80  }
0x2f: {  	[sflag:s16] =	ssyncset.done $0x0  }
0x30: {  	[sflag:s16] =	ssyncadd.s32 $0xFFFFFF80  }
0x31: {  	[tilespmem:s18], [sflag:$0x1] =	stream.indirect.gather [hbm4b:s4+s17], $0x80, s3, s17, $0xb8;
	[tilespmem:$0x1C100] =	vst v63  }
0x32: {  	_ =	swait.ge [sflag:s19], $0x4000  }
0x33: {  	[sflag:s19] =	ssyncset.done $0x0  }
0x34: {  	[sflag:s19] =	ssyncadd.s32 $0xFFFFC000  }
0x35: {  	[spmem:s2] =	stream.indirect.scatter.add.f32 [tilespmem:s18], [sflag:$0x2], $0x80, s17, s17, $0xb8;
	[tilespmem:$0x1C100] =	vst v63  }
0x36: {  	_ =	swait.ge [sflag:s16], $0x4000  }
0x37: {  	s24 =	simm.s32 $0x20;
	s23 =	simm.s32 $0x10;
	[sflag:s16] =	ssyncset.done $0x0  }
.LBB2_2:
0x38: {  	s25 =	sadd.s32 s23, s14  }
0x39: {  	[sflag:s16] =	ssyncadd.s32 $0xFFFFC000;
	s26 =	smov.u32 s24;
	s28 =	sadd.s32 $0x10, s24  }
0x3a: {  	[tilespmem:s3], [sflag:$0x2] =	stream.linear.gather [hbm4b:s25+s3], $0x80, $0x38;
	[tilespmem:$0x1C100] =	vst v63  }
0x3b: {  	p0 =	sne.s32 s24, $0x4F0;
	_ =	swait.ge [sflag:s16], $0x80  }
0x3c: {  	[sflag:s16] =	ssyncset.done $0x0  }
0x3d: {  	s24 =	sadd.s32 s23, s13;
	s23 =	smov.u32 s26;
	[sflag:s16] =	ssyncadd.s32 $0xFFFFFF80  }
0x3e: {  	[tilespmem:s17], [sflag:$0x2] =	stream.linear.gather [hbm4b:s24+s3], $0x80, $0x38;
	[tilespmem:$0x1C100] =	vst v63  }
0x3f: {  	_ =	swait.ge [sflag:s16], $0x80  }
0x40: {  	[sflag:s16] =	ssyncset.done $0x0  }
0x41: {  	[sflag:s16] =	ssyncadd.s32 $0xFFFFFF80  }
0x42: {  	[tilespmem:s18], [sflag:$0x1] =	stream.indirect.gather [hbm4b:s4+s17], $0x80, s3, s17, $0xb8;
	[tilespmem:$0x1C100] =	vst v63  }
0x43: {  	_ =	swait.ge [sflag:s19], $0x4000  }
.Ltmp0:
0x44: {  	[sflag:s19] =	ssyncset.done $0x0;
	(pc) =	sbr.rel @p0 .LBB2_2-.Ltmp0, $4  }
0x45: {  	[sflag:s19] =	ssyncadd.s32 $0xFFFFC000  }
0x46: {  	[spmem:s2] =	stream.indirect.scatter.add.f32 [tilespmem:s18], [sflag:$0x2], $0x80, s17, s17, $0xb8;
	[tilespmem:$0x1C100] =	vst v63  }
0x47: {  	_ =	swait.ge [sflag:s16], $0x4000  }
0x48: {  	s24 =	smov.u32 s28;
	[sflag:s16] =	ssyncset.done $0x0  }
0x49: {  	s24 =	sadd.s32 s23, s14;
	[sflag:s16] =	ssyncadd.s32 $0xFFFFC000  }
0x4a: {  	[tilespmem:s3], [sflag:$0x2] =	stream.linear.gather [hbm4b:s24+s3], $0x80, $0x38;
	[tilespmem:$0x1C100] =	vst v63  }
0x4b: {  	_ =	swait.ge [sflag:s16], $0x80  }
0x4c: {  	[sflag:s16] =	ssyncset.done $0x0  }
0x4d: {  	s31 =	sadd.s32 s23, s13;
	[sflag:s16] =	ssyncadd.s32 $0xFFFFFF80  }
0x4e: {  	[tilespmem:s17], [sflag:$0x2] =	stream.linear.gather [hbm4b:s31+s3], $0x80, $0x38;
	[tilespmem:$0x1C100] =	vst v63  }
0x4f: {  	_ =	swait.ge [sflag:s16], $0x80  }
0x50: {  	[sflag:s16] =	ssyncset.done $0x0  }
0x51: {  	[sflag:s16] =	ssyncadd.s32 $0xFFFFFF80  }
0x52: {  	[tilespmem:s18], [sflag:$0x1] =	stream.indirect.gather [hbm4b:s4+s17], $0x80, s3, s17, $0xb8;
	[tilespmem:$0x1C100] =	vst v63  }
0x53: {  	_ =	swait.ge [sflag:s19], $0x4000  }
0x54: {  	[sflag:s19] =	ssyncset.done $0x0  }
0x55: {  	[sflag:s19] =	ssyncadd.s32 $0xFFFFC000  }
0x56: {  	[spmem:s2] =	stream.indirect.scatter.add.f32 [tilespmem:s18], [sflag:$0x2], $0x80, s17, s17, $0xb8;
	[tilespmem:$0x1C100] =	vst v63  }
0x57: {  	_ =	swait.ge [sflag:s16], $0x4000  }
0x58: {  	s22 =	sadd.s32 $0x1, s22;
	[sflag:s16] =	ssyncset.done $0x0  }
0x59: {  	p0 =	sne.s32 s22, s8;
	[sflag:s16] =	ssyncadd.s32 $0xFFFFC000  }
.Ltmp1:
0x5a: {  	[bflag:$0x0] =	sbarrier.arrive $0xFFFF;
	(pc) =	sbr.rel @p0 .LBB2_1-.Ltmp1, $4  }
0x5b: {  	[hbm:s7], [sflag:s20] =	dma.local [spmem:s21], $0x2800  }
0x5c: {  	_ =	swait.ge [sflag:s16], $0x2800  }
0x5d: {  	[sflag:s16] =	ssyncset.done $0x0  }
0x5e: {  	[sflag:s16] =	ssyncadd.s32 $0xFFFFD800  }
0x5f: {  	_ =	sfence.sel $0x180000  }
0x60: {  	[bflag:$0x0] =	sbarrier.arrive $0xFFFF  }
0x61: {  	p0 =	sne.s32 s0, $0x0;
	_ =	strace $0x9000004D  }
0x62: {  	s0 =	sadd.s32 @!p0 $0x100000, s1;
	[bflag:$0x2] =	sbarrier.arrive $0xFFFF  }
0x63: {  	[sflag:s0] =	ssyncadd.tile.s32 @!p0 $0x1;
	_ =	shalt  }
.Lfunc_end2:
_tile_overlayer_lowered:
.L_overlay_start_2:
0x64: {  	(tag) =	ssettag $0x2  }
0x65: {  	s0 =	rddreg [dreg:$0x0];
	s2 =	stileid.u32  }
0x66: {  	s1 =	rddreg [dreg:$0x1];
	p0 =	sne.s32 s2, $0x0  }
0x67: {  	s3 =	rddreg [dreg:$0x2];
	[bflag:$0x3] =	sbarrier.arrive $0xFFFF;
	s2 =	simm.s32 @!p0 $0x1C02  }
0x68: {  	[timem:s3], [sflag:s2] =	dma.local @!p0 [hbm:s0], s1  }
0x69: {  	s0 =	simm.s32 @!p0 $0x2  }
0x6a: {  	_ =	swait.ge @!p0 [sflag:s0], s1  }
0x6b: {  	s1 =	ssub.s32 @!p0 $0x0, s1;
	[sflag:s0] =	ssyncset.done @!p0 $0x0  }
0x6c: {  	[sflag:s0] =	ssyncadd.s32 @!p0 s1  }
0x6d: {  	[bflag:$0x3] =	sbarrier.arrive $0xFFFF  }
0x6e: {  	_ =	shalt  }

// kernel: kernel.19.cloned.1.call-start
scs
__scs_entry_jumppad:
0x0: {  	(pc) =	sbr.rel $0x88, $3  }
0x1: {  	(tag) =	ssettag $0x0;
	lr =	simm.s32 $0x1  }
0x2: {  	[smem:$0x3F95] =	sst lr;
	_ =	strace $0xD0000000  }
0x3: {  	_ = 	snop  }
0x4: {  	_ = 	snop  }
0x5: {  	_ = 	snop  }
0x6: {  	_ = 	snop  }
0x7: {  	_ = 	snop  }
__scs_overlays_trampoline_lowered:
0x8: {  	[smem:$0x3FA4] =	sst s0  }
0x9: {  	[smem:$0x3FA5] =	sst s1  }
0xa: {  	[smem:$0x3FA6] =	sst s2  }
0xb: {  	[smem:$0x3FA7] =	sst s3  }
0xc: {  	[smem:$0x3FA8] =	sst s4  }
0xd: {  	[smem:$0x3FA9] =	sst s5  }
0xe: {  	[smem:$0x3FAA] =	sst s6  }
0xf: {  	[smem:$0x3FAB] =	sst s7  }
0x10: {  	[smem:$0x3FAC] =	sst s8  }
0x11: {  	[smem:$0x3FAD] =	sst s9;
	s0 =	simm.s32 @!p0 $0x0  }
0x12: {  	s1 =	sld [smem:$0x3F93];
	s0 =	simm.s32 @p0 $0x1  }
0x13: {  	[smem:$0x3FAE] =	sst s0;
	s0 =	simm.s32 @!p1 $0x0  }
0x14: {  	s2 =	sld [smem:$0x3F92];
	s0 =	simm.s32 @p1 $0x1  }
0x15: {  	[smem:$0x3FAF] =	sst s0;
	s0 =	simm.s32 @!p2 $0x0  }
0x16: {  	s3 =	sld [smem:$0x3FDB];
	s0 =	simm.s32 @p2 $0x1  }
0x17: {  	s4 =	simm.s32 $0x1BF5;
	[smem:$0x3FB1] =	sst s0  }
0x18: {  	s0 =	sld [smem:$0x3F94];
	_ =	swait.ge [sflag:s4], $0x0  }
0x19: {  	s7 =	sld [smem:$0x3F95]  }
0x1a: {  	s8 =	sadd.s32 $0xFFFFE003, lr  }
0x1b: {  	s9 =	sadd.s32 $0xFFFFFEF7, lr;
	s5 =	simm.s32 $0xFFFFFFFF;
	p2 =	slt.u32 s8, $0xFFFFF086  }
0x1c: {  	p1 =	slt.u32 s9, $0xF7A;
	s5 =	simm.s32 @!p2 $0x0  }
0x1d: {  	s5 =	simm.s32 @p1 $0x1;
	p0 =	seq.s32 s7, s2  }
0x1e: {  	s7 =	smul.u32 @!p0 $0xF7A, s2;
	p2 =	seq.s32 @!p0 s5, $0x0  }
0x1f: {  	s9 =	smul.u32 $0xF7A, s1;
	s8 =	simm.s32 @!p0 $0x1BF5;
	p2 =	por !p2, p0  }
0x20: {  	[sflag:s8] =	ssyncset.s32 @!p0 $0xFFFFF086;
	s6 =	sadd.s32 @!p0 s3, s7;
	s7 =	simm.s32 @!p0 $0x108  }
0x21: {  	s3 =	sadd.s32 s3, s9;
	s6 =	sadd.s32 @!p0 $0x88, s6;
	s7 =	simm.s32 @p2 $0x1082  }
0x22: {  	[simem:s7], [sflag:s8] =	dma.local @!p0 [hbm:s6], $0xF7A  }
0x23: {  	s9 =	sor.u32 $0xD0000000, s2;
	s6 =	simm.s32 $0x108;
	_ =	swait.ge @!p0 [sflag:s8], $0x0  }
0x24: {  	s3 =	sadd.s32 $0x88, s3;
	s6 =	simm.s32 @!p1 $0x1082;
	[sflag:s4] =	ssyncset.s32 $0xFFFFF086  }
0x25: {  	[simem:s6], [sflag:s4] =	dma.local [hbm:s3], $0xF7A  }
0x26: {  	[smem:$0x3F95] =	sst s1;
	(tag) =	ssettag s2;
	_ =	strace s9  }
0x27: {  	s1 =	sld [smem:$0x3FA5]  }
0x28: {  	s2 =	sld [smem:$0x3FA6]  }
0x29: {  	s4 =	sld [smem:$0x3FA8]  }
0x2a: {  	p0 =	seq.s32 s5, $0x0;
	s5 =	sld [smem:$0x3FA9]  }
0x2b: {  	s6 =	sld [smem:$0x3FAA]  }
0x2c: {  	s7 =	sld [smem:$0x3FAB]  }
0x2d: {  	s3 =	simm.s32 $0x108;
	s8 =	sld [smem:$0x3FAC]  }
0x2e: {  	s3 =	simm.s32 @!p0 $0x1082;
	s9 =	sld [smem:$0x3FAD]  }
0x2f: {  	lr =	sadd.s32 s0, s3;
	s0 =	sld [smem:$0x3FA4]  }
0x30: {  	s3 =	sld [smem:$0x3FA7]  }
0x31: {  	[smem:$0x3FB0] =	sst s10  }
0x32: {  	s10 =	sld [smem:$0x3FAE];
	_ =	sdelay $0x3  }
0x33: {  	p0 =	seq.s32 s10, $0x1;
	s10 =	sld [smem:$0x3FB0];
	_ =	sdelay $0x3  }
0x34: {  	[smem:$0x3FB0] =	sst s10  }
0x35: {  	s10 =	sld [smem:$0x3FAF];
	_ =	sdelay $0x3  }
0x36: {  	p1 =	seq.s32 s10, $0x1;
	s10 =	sld [smem:$0x3FB0];
	_ =	sdelay $0x3  }
0x37: {  	[smem:$0x3FB0] =	sst s10  }
0x38: {  	s10 =	sld [smem:$0x3FB1]  }
0x39: {  	_ = 	snop;
	(pc) =	sbr.ind lr, $3  }
0x3a: {  	_ = 	snop  }
0x3b: {  	_ = 	snop  }
0x3c: {  	p2 =	seq.s32 s10, $0x1;
	s10 =	sld [smem:$0x3FB0]  }
0x3d: {  	_ =	shalt  }
0x3e: {  	_ =	shalt  }
0x3f: {  	_ =	shalt  }
0x40: {  	_ =	shalt  }
0x41: {  	_ =	shalt  }
0x42: {  	_ =	shalt  }
0x43: {  	_ =	shalt  }
0x44: {  	_ =	shalt  }
0x45: {  	_ =	shalt  }
0x46: {  	_ =	shalt  }
0x47: {  	_ =	shalt  }
0x48: {  	_ =	shalt  }
0x49: {  	_ =	shalt  }
0x4a: {  	_ =	shalt  }
0x4b: {  	_ =	shalt  }
0x4c: {  	_ =	shalt  }
0x4d: {  	_ =	shalt  }
0x4e: {  	_ =	shalt  }
0x4f: {  	_ =	shalt  }
0x50: {  	_ =	shalt  }
0x51: {  	_ =	shalt  }
0x52: {  	_ =	shalt  }
0x53: {  	_ =	shalt  }
0x54: {  	_ =	shalt  }
0x55: {  	_ =	shalt  }
0x56: {  	_ =	shalt  }
0x57: {  	_ =	shalt  }
0x58: {  	_ =	shalt  }
0x59: {  	_ =	shalt  }
0x5a: {  	_ =	shalt  }
0x5b: {  	_ =	shalt  }
0x5c: {  	_ =	shalt  }
0x5d: {  	_ =	shalt  }
0x5e: {  	_ =	shalt  }
0x5f: {  	_ =	shalt  }
0x60: {  	_ =	shalt  }
0x61: {  	_ =	shalt  }
0x62: {  	_ =	shalt  }
0x63: {  	_ =	shalt  }
0x64: {  	_ =	shalt  }
0x65: {  	_ =	shalt  }
0x66: {  	_ =	shalt  }
0x67: {  	_ =	shalt  }
0x68: {  	_ =	shalt  }
0x69: {  	_ =	shalt  }
0x6a: {  	_ =	shalt  }
0x6b: {  	_ =	shalt  }
0x6c: {  	_ =	shalt  }
0x6d: {  	_ =	shalt  }
0x6e: {  	_ =	shalt  }
0x6f: {  	_ =	shalt  }
0x70: {  	_ =	shalt  }
0x71: {  	_ =	shalt  }
0x72: {  	_ =	shalt  }
0x73: {  	_ =	shalt  }
0x74: {  	_ =	shalt  }
0x75: {  	_ =	shalt  }
0x76: {  	_ =	shalt  }
0x77: {  	_ =	shalt  }
0x78: {  	_ =	shalt  }
0x79: {  	_ =	shalt  }
0x7a: {  	_ =	shalt  }
0x7b: {  	_ =	shalt  }
0x7c: {  	_ =	shalt  }
0x7d: {  	_ =	shalt  }
0x7e: {  	_ =	shalt  }
0x7f: {  	_ =	shalt  }
0x80: {  	_ =	shalt  }
0x81: {  	_ =	shalt  }
0x82: {  	_ =	shalt  }
0x83: {  	_ =	shalt  }
0x84: {  	_ =	shalt  }
0x85: {  	_ =	shalt  }
0x86: {  	_ =	shalt  }
0x87: {  	_ =	shalt  }
.Lfunc_end0:
.L_simem_size_0:
called_computation.3_lowered:
.L_overlay_start_0:
0x88: {  	s2 =	sld [smem:$0x3FD9]  }
0x89: {  	s3 =	sld [smem:$0x3FFE];
	_ =	sdelay $0x1  }
0x8a: {  	s1 =	srdreg.scid  }
0x8b: {  	s0 =	sand.u32 $0x1, s1  }
0x8c: {  	s16 =	sshll.u32 s0, $0xA;
	s2 =	sadd.s32 s3, s2  }
0x8d: {  	s2 =	sadd.s32 s2, s16  }
0x8e: {  	[smem:$0x3FBC] =	sst s2  }
0x8f: {  	_ = 	snop  }
0x90: {  	(tm) =	ssettm $0x1  }
0x91: {  	s17 =	sld [smem:$0x3FFB];
	_ =	sdelay $0x3  }
0x92: {  	_ =	strace s17  }
0x93: {  	s2 =	sld [smem:$0x3FFC];
	_ =	sdelay $0x3  }
0x94: {  	_ =	strace s2  }
0x95: {  	s2 =	sld [smem:$0x3FFD];
	_ =	sdelay $0x3  }
0x96: {  	_ =	strace s2  }
0x97: {  	_ =	strace $0x8FFFFFFF  }
0x98: {  	s18 =	sld [smem:$0x3FDB];
	_ =	sdelay $0x1  }
0x99: {  	s19 =	simm.s32 $_scs_section_size  }
0x9a: {  	s4 =	simm.s32 $_size__tile_overlayer_lowered;
	s5 =	simm.s32 $_tile_overlayer_lowered  }
0x9b: {  	s22 =	simm.s32 $0x1BFF;
	s21 =	sshll.u32 s5, $0x1;
	s2 =	sadd.s32 s19, s18  }
0x9c: {  	s6 =	simm.s32 $0x0;
	s20 =	sshll.u32 s4, $0x1;
	s4 =	sadd.s32 s21, s2  }
0x9d: {  	[timem:s6], [sflag:s22] =	dma.local [hbm:s4], s20  }
0x9e: {  	_ =	swait.ge [sflag:s22], s20  }
0x9f: {  	s3 =	ssub.s32 $0x0, s20;
	[sflag:s22] =	ssyncset.done $0x0  }
0xa0: {  	[sflag:s22] =	ssyncadd.s32 s3;
	_ =	sdelay $0x1  }
0xa1: {  	s23 =	simm.s32 $0x1B8B  }
0xa2: {  	_ =	swait.ge [sflag:s23], $0x1  }
0xa3: {  	[sflag:s23] =	ssyncset.done $0x0  }
0xa4: {  	s25 =	simm.s32 $0x1B8E;
	s24 =	sld [smem:$0x3FFE];
	[sflag:s23] =	ssyncadd.s32 $0xFFFFFFFF  }
0xa5: {  	s26 =	simm.s32 $execute0_lowered;
	[smem:$0x3FD2] =	sst s25  }
0xa6: {  	s4 =	sshll.u32 s26, $0x1;
	_ =	strace $0x8000004F;
	[dreg:$0x1] =	wrdreg $0xFFFFFFFF  }
0xa7: {  	s28 =	simm.s32 $_size_execute0_lowered;
	s2 =	sadd.s32 s2, s4;
	[dreg:$0x0] =	wrdreg $0x0  }
0xa8: {  	s4 =	sshll.u32 s28, $0x1;
	[dreg:$0x2] =	wrdreg s2  }
0xa9: {  	[dreg:$0x3] =	wrdreg s4  }
0xaa: {  	[dreg:$0x4] =	wrdreg $0xC0  }
0xab: {  	_ =	task [dreg:s6], $0x5FFFF  }
0xac: {  	[dreg:$0x1] =	wrdreg $0xFFFFFFFF  }
0xad: {  	[dreg:$0x0] =	wrdreg $0x60  }
0xae: {  	[dreg:$0x2] =	wrdreg s24  }
0xaf: {  	[dreg:$0x3] =	wrdreg $0x81000  }
0xb0: {  	[dreg:$0x4] =	wrdreg $0x9  }
0xb1: {  	_ =	task.clear_ibuf [dreg:s6], $0x5FFFF;
	_ =	strace $0x9000004F  }
0xb2: {  	s29 =	simm.s32 $0x9;
	_ =	strace $0x80000051  }
0xb3: {  	_ =	swait.ge [sflag:s29], $0x1  }
0xb4: {  	[sflag:s29] =	ssyncadd.s32 $0xFFFFFFFF  }
0xb5: {  	_ =	strace $0x90000051  }
0xb6: {  	_ =	sfence  }
0xb7: {  	s30 =	sld [smem:$0x0];
	_ =	sdelay $0x2  }
0xb8: {  	s31 =	sshll.u32 s1, $0xD;
	s1 =	sshrl.u32 s1, $0x2  }
0xb9: {  	s3 =	sand.u32 $0x4000, s31;
	s1 =	sadd.s32 s1, s30  }
0xba: {  	s0 =	sor.u32 s3, s0;
	s1 =	sshll.u32 s1, $0x11  }
0xbb: {  	s0 =	sor.u32 s1, s0  }
0xbc: {  	s0 =	sadd.s32 $0x8F2B, s0  }
0xbd: {  	[sflag:s0] =	ssyncadd.remote.s32 $0x1  }
0xbe: {  	_ =	sfence.sel $0xFFFF  }
0xbf: {  	[dreg:$0x0] =	wrdreg $0xFFFFFFFF;
	(pc) =	sbr.abs _section_cstart, $3  }
0xc0: {  	[dreg:$0x1] =	wrdreg $0xFFFFFFFF  }
0xc1: {  	_ =	task.clear_ibuf [dreg:s6], $0x2FFFF;
	_ =	strace $0x9FFFFFFF  }
0xc2: {  	(tm) =	ssettm $0x7FFFFFFF  }
0xc3: {  	_ =	shalt  }
tec
execute0_lowered:
.L_overlay_start_1:
0x0: {  	(tag) =	ssettag $0x1  }
0x1: {  	s6 =	rddreg [dreg:$0x0];
	s0 =	stileid.u32  }
0x2: {  	s1 =	srdreg.scid;
	s2 =	rddreg [dreg:$0x1]  }
0x3: {  	s3 =	simm.s32 $0x0;
	s15 =	simm.s32 $0x4100;
	s16 =	simm.s32 $0x2  }
0x4: {  	s17 =	simm.s32 $0x80;
	s18 =	simm.s32 $0x100;
	s4 =	smul.u32 $0xA00, s0  }
0x5: {  	s19 =	simm.s32 $0x1;
	s22 =	simm.s32 $0x0;
	s8 =	smul.u32 $0x14000, s0  }
0x6: {  	s7 =	sand.u32 $0x1, s1;
	s1 =	rddreg [dreg:$0x2];
	s9 =	smul.u32 $0x50000, s0  }
0x7: {  	[smem:$0x7FF] =	sst s3;
	s20 =	sshll.u32 s0, $0x6;
	s5 =	smul.u32 $0x140000, s7  }
0x8: {  	_ =	strace $0x80000050;
	s10 =	ssub.s32 $0x2, s7;
	s13 =	smul.u32 $0x500, s7  }
0x9: {  	s20 =	sor.u32 $0x1C02, s20;
	s12 =	sadd.s32 s4, s6;
	s4 =	sadd.s32 $0x3200, s6  }
0xa: {  	s31 =	sshrl.u32 s10, $0x1;
	s9 =	sshrl.u32 s9, $0x2;
	s8 =	sadd.s32 s8, s5  }
0xb: {  	s5 =	sadd.s32 $0x3F800, s6;
	s14 =	sadd.s32 s13, s12;
	s8 =	sshrl.u32 s8, $0x3  }
0xc: {  	s10 =	ssub.s32 s10, s31;
	s13 =	sadd.s32 $0x35800, s14;
	s8 =	sadd.s32 s8, s6  }
0xd: {  	s14 =	sadd.s32 $0x2B800, s14;
	s6 =	sadd.s32 s9, s2;
	s7 =	sadd.s32 $0x40000, s8  }
0xe: {  	s8 =	smax.u32 s10, $0x1;
	s9 =	sadd.s32 $0x4000, s6;
	s10 =	sadd.s32 $0x8000, s6  }
0xf: {  	s11 =	sadd.s32 $0xC000, s6;
	s12 =	sadd.s32 $0x10000, s6;
	s21 =	sshrl.u32 s6, $0x3  }
.LBB2_1:
0x10: {  	[tilespmem:s15], [sflag:$0x2] =	stream.linear.gather [hbm4b:s5+s3], $0x4000, $0x38;
	[tilespmem:$0x1C100] =	vst v63  }
0x11: {  	_ =	swait.ge [sflag:s16], $0x4000  }
0x12: {  	[sflag:s16] =	ssyncset.done $0x0  }
0x13: {  	[sflag:s16] =	ssyncadd.s32 $0xFFFFC000  }
0x14: {  	[spmem:s6] =	stream.linear.scatter [tilespmem:s15], [sflag:$0x2], $0x4000, $0x38;
	[tilespmem:$0x1C100] =	vst v63  }
0x15: {  	_ =	swait.ge [sflag:s16], $0x4000  }
0x16: {  	[sflag:s16] =	ssyncset.done $0x0  }
0x17: {  	[sflag:s16] =	ssyncadd.s32 $0xFFFFC000  }
0x18: {  	[spmem:s9] =	stream.linear.scatter [tilespmem:s15], [sflag:$0x2], $0x4000, $0x38;
	[tilespmem:$0x1C100] =	vst v63  }
0x19: {  	_ =	swait.ge [sflag:s16], $0x4000  }
0x1a: {  	[sflag:s16] =	ssyncset.done $0x0  }
0x1b: {  	[sflag:s16] =	ssyncadd.s32 $0xFFFFC000  }
0x1c: {  	[spmem:s10] =	stream.linear.scatter [tilespmem:s15], [sflag:$0x2], $0x4000, $0x38;
	[tilespmem:$0x1C100] =	vst v63  }
0x1d: {  	_ =	swait.ge [sflag:s16], $0x4000  }
0x1e: {  	[sflag:s16] =	ssyncset.done $0x0  }
0x1f: {  	[sflag:s16] =	ssyncadd.s32 $0xFFFFC000  }
0x20: {  	[spmem:s11] =	stream.linear.scatter [tilespmem:s15], [sflag:$0x2], $0x4000, $0x38;
	[tilespmem:$0x1C100] =	vst v63  }
0x21: {  	_ =	swait.ge [sflag:s16], $0x4000  }
0x22: {  	[sflag:s16] =	ssyncset.done $0x0  }
0x23: {  	[sflag:s16] =	ssyncadd.s32 $0xFFFFC000  }
0x24: {  	[spmem:s12] =	stream.linear.scatter [tilespmem:s15], [sflag:$0x2], $0x4000, $0x38;
	[tilespmem:$0x1C100] =	vst v63  }
0x25: {  	_ =	swait.ge [sflag:s16], $0x4000  }
0x26: {  	[sflag:s16] =	ssyncset.done $0x0  }
0x27: {  	[sflag:s16] =	ssyncadd.s32 $0xFFFFC000  }
0x28: {  	s23 =	sadd.s32 $0x0, s14;
	[bflag:$0x0] =	sbarrier.arrive $0xFFFF  }
0x29: {  	[tilespmem:s3], [sflag:$0x2] =	stream.linear.gather [hbm4b:s23+s3], $0x80, $0x38;
	[tilespmem:$0x1C100] =	vst v63  }
0x2a: {  	_ =	swait.ge [sflag:s16], $0x80  }
0x2b: {  	[sflag:s16] =	ssyncset.done $0x0  }
0x2c: {  	s31 =	sadd.s32 $0x0, s13;
	[sflag:s16] =	ssyncadd.s32 $0xFFFFFF80  }
0x2d: {  	[tilespmem:s17], [sflag:$0x2] =	stream.linear.gather [hbm4b:s31+s3], $0x80, $0x38;
	[tilespmem:$0x1C100] =	vst v63  }
0x2e: {  	_ =	swait.ge [sflag:s16], $0x80  }
0x2f: {  	[sflag:s16] =	ssyncset.done $0x0  }
0x30: {  	[sflag:s16] =	ssyncadd.s32 $0xFFFFFF80  }
0x31: {  	[tilespmem:s18], [sflag:$0x1] =	stream.indirect.gather [hbm4b:s4+s17], $0x80, s3, s17, $0xb8;
	[tilespmem:$0x1C100] =	vst v63  }
0x32: {  	_ =	swait.ge [sflag:s19], $0x4000  }
0x33: {  	[sflag:s19] =	ssyncset.done $0x0  }
0x34: {  	[sflag:s19] =	ssyncadd.s32 $0xFFFFC000  }
0x35: {  	[spmem:s2] =	stream.indirect.scatter.add.f32 [tilespmem:s18], [sflag:$0x2], $0x80, s17, s17, $0xb8;
	[tilespmem:$0x1C100] =	vst v63  }
0x36: {  	_ =	swait.ge [sflag:s16], $0x4000  }
0x37: {  	s24 =	simm.s32 $0x20;
	s23 =	simm.s32 $0x10;
	[sflag:s16] =	ssyncset.done $0x0  }
.LBB2_2:
0x38: {  	s25 =	sadd.s32 s23, s14  }
0x39: {  	[sflag:s16] =	ssyncadd.s32 $0xFFFFC000;
	s26 =	smov.u32 s24;
	s28 =	sadd.s32 $0x10, s24  }
0x3a: {  	[tilespmem:s3], [sflag:$0x2] =	stream.linear.gather [hbm4b:s25+s3], $0x80, $0x38;
	[tilespmem:$0x1C100] =	vst v63  }
0x3b: {  	p0 =	sne.s32 s24, $0x4F0;
	_ =	swait.ge [sflag:s16], $0x80  }
0x3c: {  	[sflag:s16] =	ssyncset.done $0x0  }
0x3d: {  	s24 =	sadd.s32 s23, s13;
	s23 =	smov.u32 s26;
	[sflag:s16] =	ssyncadd.s32 $0xFFFFFF80  }
0x3e: {  	[tilespmem:s17], [sflag:$0x2] =	stream.linear.gather [hbm4b:s24+s3], $0x80, $0x38;
	[tilespmem:$0x1C100] =	vst v63  }
0x3f: {  	_ =	swait.ge [sflag:s16], $0x80  }
0x40: {  	[sflag:s16] =	ssyncset.done $0x0  }
0x41: {  	[sflag:s16] =	ssyncadd.s32 $0xFFFFFF80  }
0x42: {  	[tilespmem:s18], [sflag:$0x1] =	stream.indirect.gather [hbm4b:s4+s17], $0x80, s3, s17, $0xb8;
	[tilespmem:$0x1C100] =	vst v63  }
0x43: {  	_ =	swait.ge [sflag:s19], $0x4000  }
.Ltmp0:
0x44: {  	[sflag:s19] =	ssyncset.done $0x0;
	(pc) =	sbr.rel @p0 .LBB2_2-.Ltmp0, $4  }
0x45: {  	[sflag:s19] =	ssyncadd.s32 $0xFFFFC000  }
0x46: {  	[spmem:s2] =	stream.indirect.scatter.add.f32 [tilespmem:s18], [sflag:$0x2], $0x80, s17, s17, $0xb8;
	[tilespmem:$0x1C100] =	vst v63  }
0x47: {  	_ =	swait.ge [sflag:s16], $0x4000  }
0x48: {  	s24 =	smov.u32 s28;
	[sflag:s16] =	ssyncset.done $0x0  }
0x49: {  	s24 =	sadd.s32 s23, s14;
	[sflag:s16] =	ssyncadd.s32 $0xFFFFC000  }
0x4a: {  	[tilespmem:s3], [sflag:$0x2] =	stream.linear.gather [hbm4b:s24+s3], $0x80, $0x38;
	[tilespmem:$0x1C100] =	vst v63  }
0x4b: {  	_ =	swait.ge [sflag:s16], $0x80  }
0x4c: {  	[sflag:s16] =	ssyncset.done $0x0  }
0x4d: {  	s31 =	sadd.s32 s23, s13;
	[sflag:s16] =	ssyncadd.s32 $0xFFFFFF80  }
0x4e: {  	[tilespmem:s17], [sflag:$0x2] =	stream.linear.gather [hbm4b:s31+s3], $0x80, $0x38;
	[tilespmem:$0x1C100] =	vst v63  }
0x4f: {  	_ =	swait.ge [sflag:s16], $0x80  }
0x50: {  	[sflag:s16] =	ssyncset.done $0x0  }
0x51: {  	[sflag:s16] =	ssyncadd.s32 $0xFFFFFF80  }
0x52: {  	[tilespmem:s18], [sflag:$0x1] =	stream.indirect.gather [hbm4b:s4+s17], $0x80, s3, s17, $0xb8;
	[tilespmem:$0x1C100] =	vst v63  }
0x53: {  	_ =	swait.ge [sflag:s19], $0x4000  }
0x54: {  	[sflag:s19] =	ssyncset.done $0x0  }
0x55: {  	[sflag:s19] =	ssyncadd.s32 $0xFFFFC000  }
0x56: {  	[spmem:s2] =	stream.indirect.scatter.add.f32 [tilespmem:s18], [sflag:$0x2], $0x80, s17, s17, $0xb8;
	[tilespmem:$0x1C100] =	vst v63  }
0x57: {  	_ =	swait.ge [sflag:s16], $0x4000  }
0x58: {  	s22 =	sadd.s32 $0x1, s22;
	[sflag:s16] =	ssyncset.done $0x0  }
0x59: {  	p0 =	sne.s32 s22, s8;
	[sflag:s16] =	ssyncadd.s32 $0xFFFFC000  }
.Ltmp1:
0x5a: {  	[bflag:$0x0] =	sbarrier.arrive $0xFFFF;
	(pc) =	sbr.rel @p0 .LBB2_1-.Ltmp1, $4  }
0x5b: {  	[hbm:s7], [sflag:s20] =	dma.local [spmem:s21], $0x2800  }
0x5c: {  	_ =	swait.ge [sflag:s16], $0x2800  }
0x5d: {  	[sflag:s16] =	ssyncset.done $0x0  }
0x5e: {  	[sflag:s16] =	ssyncadd.s32 $0xFFFFD800  }
0x5f: {  	_ =	sfence.sel $0x180000  }
0x60: {  	[bflag:$0x0] =	sbarrier.arrive $0xFFFF  }
0x61: {  	p0 =	sne.s32 s0, $0x0;
	_ =	strace $0x90000050  }
0x62: {  	s0 =	sadd.s32 @!p0 $0x100000, s1;
	[bflag:$0x2] =	sbarrier.arrive $0xFFFF  }
0x63: {  	[sflag:s0] =	ssyncadd.tile.s32 @!p0 $0x1;
	_ =	shalt  }
.Lfunc_end2:
_tile_overlayer_lowered:
.L_overlay_start_2:
0x64: {  	(tag) =	ssettag $0x2  }
0x65: {  	s0 =	rddreg [dreg:$0x0];
	s2 =	stileid.u32  }
0x66: {  	s1 =	rddreg [dreg:$0x1];
	p0 =	sne.s32 s2, $0x0  }
0x67: {  	s3 =	rddreg [dreg:$0x2];
	[bflag:$0x3] =	sbarrier.arrive $0xFFFF;
	s2 =	simm.s32 @!p0 $0x1C02  }
0x68: {  	[timem:s3], [sflag:s2] =	dma.local @!p0 [hbm:s0], s1  }
0x69: {  	s0 =	simm.s32 @!p0 $0x2  }
0x6a: {  	_ =	swait.ge @!p0 [sflag:s0], s1  }
0x6b: {  	s1 =	ssub.s32 @!p0 $0x0, s1;
	[sflag:s0] =	ssyncset.done @!p0 $0x0  }
0x6c: {  	[sflag:s0] =	ssyncadd.s32 @!p0 s1  }
0x6d: {  	[bflag:$0x3] =	sbarrier.arrive $0xFFFF  }
0x6e: {  	_ =	shalt  }

</sc_bundles>
